<compile_context>
chip_gen: v7x
topology: tpu7x:2x2x1
jax: 0.10.2.dev20260603
libtpu: 0.0.44.dev20260713+nightly
codegen_flags: <defaults>
</compile_context>

<pallas_src>
import jax
import jax.numpy as jnp
from jax import lax
from jax.experimental import pallas as pl
from jax.experimental.pallas import tpu as pltpu
from jax.experimental.pallas import tpu_sc as plsc

N = 10000
E = 320000
D = 128

NC = 2
NS = 16
NPAD = 10240
SL1 = NPAD // NS
RPT = NPAD // NS
RST = 128
CH = 128
SUP = 16
NSUP = 10
NCH = SUP * NSUP
SUPE = SUP * CH
EPTP = NCH * CH
PADE = EPTP * NS - E

_mesh = plsc.VectorSubcoreMesh(core_axis_name="c", subcore_axis_name="s")


def _deg_body(cols3, deg_out, idx2_v, ones_v, zero_v, stage_v, deg_sh):
    c = lax.axis_index("c")
    s = lax.axis_index("s")
    w = c * NS + s
    one16 = jnp.ones((16,), jnp.float32)
    zer16 = jnp.zeros((16,), jnp.float32)
    for i in range(CH // 16):
        ones_v[pl.ds(i * 16, 16)] = one16
    for i in range(SL1 // 16):
        zero_v[pl.ds(i * 16, 16)] = zer16
    pltpu.sync_copy(cols3.at[w], idx2_v)
    obase = pl.multiple_of(s * SL1, 8)
    pltpu.sync_copy(zero_v, deg_sh.at[pl.ds(obase, SL1)])
    plsc.subcore_barrier()

    def step(k, carry):
        pltpu.sync_copy(ones_v, deg_sh.at[idx2_v.at[k]], add=True)
        return carry

    lax.fori_loop(0, NCH, step, 0)
    plsc.subcore_barrier()

    pltpu.sync_copy(deg_sh.at[pl.ds(obase, SL1)], stage_v)
    ob = pl.multiple_of(c * NPAD + obase, 8)
    pltpu.sync_copy(stage_v, deg_out.at[pl.ds(ob, SL1)])


def _degrees(cols3):
    return pl.kernel(
        _deg_body,
        out_type=jax.ShapeDtypeStruct((NC * NPAD,), jnp.float32),
        mesh=_mesh,
        scratch_types=[
            pltpu.VMEM((NCH, CH), jnp.int32),
            pltpu.VMEM((CH,), jnp.float32),
            pltpu.VMEM((SL1,), jnp.float32),
            pltpu.VMEM((SL1,), jnp.float32),
            pltpu.VMEM_SHARED((NPAD,), jnp.float32),
        ],
    )(cols3)


def _msg_body(scaled2, rows1, cols1, zrows, acc_out, ic0, ic1, ir0, ir1,
              b0, b1, gs0, gs1, isem, acc_sh):
    c = lax.axis_index("c")
    s = lax.axis_index("s")
    w = c * NS + s
    bufs = (b0, b1)
    gsems = (gs0, gs1)
    ics = (ic0, ic1)
    irs = (ir0, ir1)
    wbase = pl.multiple_of(w * EPTP, 8)

    pltpu.sync_copy(zrows, b0)
    rbase = s * RPT
    for j in range(RPT // RST):
        pltpu.sync_copy(b0, acc_sh.at[pl.ds(rbase + j * RST, RST)])
    plsc.subcore_barrier()

    pltpu.sync_copy(cols1.at[pl.ds(wbase, SUPE)], ic0)
    pltpu.sync_copy(rows1.at[pl.ds(wbase, SUPE)], ir0)
    nb = pl.multiple_of(wbase + SUPE, 8)
    pltpu.async_copy(cols1.at[pl.ds(nb, SUPE)], ic1, isem)
    pltpu.async_copy(rows1.at[pl.ds(nb, SUPE)], ir1, isem)
    pltpu.async_copy(scaled2.at[ic0.at[pl.ds(0, CH)]], b0, gs0)
    pltpu.async_copy(scaled2.at[ic0.at[pl.ds(CH, CH)]], b1, gs1)

    def super_block(v, sp):
        u = 2 * v + sp
        ic, ir = ics[sp], irs[sp]
        icn = ics[1 - sp]

        def chunk_pair(i, carry):
            for b in range(2):
                j = 2 * i + b
                pltpu.make_async_copy(zrows, bufs[b], gsems[b]).wait()
                pltpu.sync_copy(bufs[b],
                                acc_sh.at[ir.at[pl.ds(j * CH, CH)]],
                                add=True)
                pltpu.async_copy(scaled2.at[ic.at[pl.ds((j + 2) * CH, CH)]],
                                 bufs[b], gsems[b])
            return carry

        lax.fori_loop(0, SUP // 2 - 1, chunk_pair, 0)

        pltpu.make_async_copy(zrows, b0, gs0).wait()
        pltpu.sync_copy(b0, acc_sh.at[ir.at[pl.ds((SUP - 2) * CH, CH)]],
                        add=True)

        @pl.when(u + 1 < NSUP)
        def _():
            pltpu.make_async_copy(cols1.at[pl.ds(wbase, SUPE)], icn,
                                  isem).wait()
            pltpu.make_async_copy(cols1.at[pl.ds(wbase, SUPE)], icn,
                                  isem).wait()
            pltpu.async_copy(scaled2.at[icn.at[pl.ds(0, CH)]], b0, gs0)

        pltpu.make_async_copy(zrows, b1, gs1).wait()
        pltpu.sync_copy(b1, acc_sh.at[ir.at[pl.ds((SUP - 1) * CH, CH)]],
                        add=True)

        @pl.when(u + 1 < NSUP)
        def _():
            pltpu.async_copy(scaled2.at[icn.at[pl.ds(CH, CH)]], b1, gs1)

        @pl.when(u + 2 < NSUP)
        def _():
            fb = pl.multiple_of(wbase + (u + 2) * SUPE, 8)
            pltpu.async_copy(cols1.at[pl.ds(fb, SUPE)], ic, isem)
            pltpu.async_copy(rows1.at[pl.ds(fb, SUPE)], ir, isem)

    def super_pair(v, carry):
        super_block(v, 0)
        super_block(v, 1)
        return carry

    lax.fori_loop(0, NSUP // 2, super_pair, 0)
    plsc.subcore_barrier()

    for j in range(RPT // RST):
        r0 = rbase + j * RST
        pltpu.sync_copy(acc_sh.at[pl.ds(r0, RST)], b0)
        pltpu.sync_copy(b0, acc_out.at[c, pl.ds(r0, RST)])


def _message_pass(scaled2, rows1, cols1, zrows):
    return pl.kernel(
        _msg_body,
        out_type=jax.ShapeDtypeStruct((NC, NPAD, D), jnp.float32),
        mesh=_mesh,
        scratch_types=[
            pltpu.VMEM((SUPE,), jnp.int32),
            pltpu.VMEM((SUPE,), jnp.int32),
            pltpu.VMEM((SUPE,), jnp.int32),
            pltpu.VMEM((SUPE,), jnp.int32),
            pltpu.VMEM((CH, D), jnp.float32),
            pltpu.VMEM((CH, D), jnp.float32),
            pltpu.SemaphoreType.DMA,
            pltpu.SemaphoreType.DMA,
            pltpu.SemaphoreType.DMA,
            pltpu.VMEM_SHARED((NPAD, D), jnp.float32),
        ],
    )(scaled2, rows1, cols1, zrows)


NPC = NPAD // D


def _scale_body(deg_ref, pemb_ref, nemb_ref, dis_ref, scaled_ref):
    for c in range(NC):
        deg = jnp.maximum(deg_ref[c], 1.0)
        dis = lax.rsqrt(deg)
        dis_ref[c] = dis
        disn = dis.reshape(NPAD)[:N].reshape(N, 1)
        emb = pemb_ref[...] if c == 0 else nemb_ref[...]
        scaled_ref[c] = disn * emb


def _scale(deg3, pos_emb, neg_emb):
    return pl.pallas_call(
        _scale_body,
        out_shape=[
            jax.ShapeDtypeStruct((NC, NPC, D), jnp.float32),
            jax.ShapeDtypeStruct((NC, N, D), jnp.float32),
        ],
    )(deg3, pos_emb, neg_emb)


def _combine_body(eps_ref, dis_ref, acc_ref, scaled_ref, out_ref):
    epsp1 = 1.0 + eps_ref[0]
    disn = dis_ref[0].reshape(NPAD)[:N].reshape(N, 1)
    out_ref[0] = disn * (acc_ref[0] + epsp1 * scaled_ref[0])


def _combine(eps, dis3, acc2, scaled2):
    return pl.pallas_call(
        _combine_body,
        grid=(NC,),
        in_specs=[
            pl.BlockSpec(memory_space=pltpu.SMEM),
            pl.BlockSpec((1, NPC, D), lambda c: (c, 0, 0)),
            pl.BlockSpec((1, N, D), lambda c: (c, 0, 0)),
            pl.BlockSpec((1, N, D), lambda c: (c, 0, 0)),
        ],
        out_specs=pl.BlockSpec((1, N, D), lambda c: (c, 0, 0)),
        out_shape=jax.ShapeDtypeStruct((NC, N, D), jnp.float32),
    )(eps, dis3, acc2, scaled2)


def kernel(pos_emb, neg_emb, pos_edge_index, neg_edge_index, eps):
    pos_ei = pos_edge_index.astype(jnp.int32)
    neg_ei = neg_edge_index.astype(jnp.int32)

    padv = (N + (jnp.arange(PADE, dtype=jnp.int32) % (NPAD - N)))
    rows_flat = jnp.concatenate([pos_ei[0], padv, neg_ei[0], padv])
    colsd_flat = jnp.concatenate(
        [pos_ei[1], padv, neg_ei[1], padv]).reshape(NC * NS, NCH, CH)
    colsg_flat = jnp.concatenate([pos_ei[1], padv, neg_ei[1] + N, padv])
    deg2 = _degrees(colsd_flat)
    dis2, scaled2 = _scale(deg2.reshape(NC, NPC, D), pos_emb, neg_emb)
    scaled_flat = scaled2.reshape(NC * N, D)
    zrows = jnp.zeros((RST, D), jnp.float32)
    acc2 = _message_pass(scaled_flat, rows_flat, colsg_flat, zrows)
    out2 = _combine(eps, dis2, acc2, scaled2)
    return (out2[0], out2[1])

# --- scband reference (transcript-rebuilt; emitter-appended) ---
"""Pipeline reference for scband-light-ginconv2-79697413145244 (READ-ONLY COPY).

The authoritative reference and input builder live on the scoring server;
editing this copy changes nothing except your own understanding.
"""

import jax, jax.numpy as jnp
import numpy as np

N_NODES = 10000
N_EDGES = 320000
DIM = 128


def setup_inputs(seed: int = 0) -> dict:
    key = jax.random.key(seed)
    k1, k2, k3, k4 = jax.random.split(key, 4)
    pos_emb = jax.random.normal(k1, (N_NODES, DIM), dtype=jnp.float32)
    neg_emb = jax.random.normal(k2, (N_NODES, DIM), dtype=jnp.float32)
    pos_edge_index = jax.random.randint(k3, (2, N_EDGES), 0, N_NODES, dtype=jnp.int64)
    neg_edge_index = jax.random.randint(k4, (2, N_EDGES), 0, N_NODES, dtype=jnp.int64)
    eps = jnp.zeros((1,), dtype=jnp.float32)
    return {
        "pos_emb": pos_emb,
        "neg_emb": neg_emb,
        "pos_edge_index": pos_edge_index,
        "neg_edge_index": neg_edge_index,
        "eps": eps,
    }


def _get_norm(node_size, edge_index):
    row, col = edge_index[0], edge_index[1]
    deg = jnp.bincount(col, length=node_size).astype(jnp.float32)
    deg = jnp.clip(deg, 1.0, None)
    deg_inv_sqrt = deg ** (-0.5)
    deg_inv_sqrt = jnp.where(jnp.isinf(deg_inv_sqrt), 0.0, deg_inv_sqrt)
    norm = deg_inv_sqrt[row] * deg_inv_sqrt[col]
    return norm, deg_inv_sqrt


def reference(pos_emb, neg_emb, pos_edge_index, neg_edge_index, eps):
    first_aggr = True
    N = pos_emb.shape[0]

    norm_pos, dis_pos = _get_norm(N, pos_edge_index)
    norm_neg, dis_neg = _get_norm(N, neg_edge_index)

    row_pos, col_pos = pos_edge_index[0], pos_edge_index[1]
    msg_pos = norm_pos[:, None] * pos_emb[col_pos]
    out_pos = jnp.zeros_like(pos_emb).at[row_pos].add(msg_pos)

    row_neg, col_neg = neg_edge_index[0], neg_edge_index[1]
    msg_neg = norm_neg[:, None] * neg_emb[col_neg]
    out_neg = jnp.zeros_like(neg_emb).at[row_neg].add(msg_neg)

    def gin_norm(out, input_x, dis):
        norm_self = dis[:, None] * dis[:, None] * input_x
        return out + (1.0 + eps) * norm_self

    if first_aggr:
        out_pos = gin_norm(out_pos, pos_emb, dis_pos)
        out_neg = gin_norm(out_neg, neg_emb, dis_neg)
    else:
        out_pos = gin_norm(out_pos, pos_emb, dis_pos)
        out_neg = gin_norm(out_neg, neg_emb, dis_pos)
    return (out_pos, out_neg)

if __name__ == "__main__":
    import jax
    _d = setup_inputs()
    print(jax.jit(kernel)(*tuple(_d.values())))

</pallas_src>

<mosaic_0001>
#map = affine_map<(d0, d1) -> (0, 0, 0)>
#map1 = affine_map<(d0, d1) -> (0)>
module attributes {stable_mosaic.version = 14 : i64} {
  func.func @_deg_body(%arg0: i32, %arg1: i32, %arg2: memref<32x160x128xi32, #tpu.memory_space<hbm>>, %arg3: memref<20480xf32, #tpu.memory_space<hbm>>, %arg4: memref<160x128xi32, #tpu.memory_space<vmem>>, %arg5: memref<128xf32, #tpu.memory_space<vmem>>, %arg6: memref<640xf32, #tpu.memory_space<vmem>>, %arg7: memref<640xf32, #tpu.memory_space<vmem>>, %arg8: memref<10240xf32, #tpu.memory_space<vmem_shared>>) attributes {dimension_semantics = [#tpu.dimension_semantics<core_parallel>, #tpu.dimension_semantics<subcore_parallel>], iteration_bounds = array<i64: 2, 16>, scalar_prefetch = 0 : i64, scratch_operands = 5 : i64, tpu.core_type = #tpu.core_type<sc_vector_subcore>, window_params = [{transform_indices = #map}, {transform_indices = #map1}]} {
    %mul3A = arith.constant 16 : i32
    %mul3A_0 = arith.muli %arg0, %mul3A : i32
    %add3A = arith.addi %mul3A_0, %arg1 : i32
    %broadcast_in_dim3A = arith.constant 1.000000e+00 : f32
    %broadcast_in_dim3A_1 = vector.broadcast %broadcast_in_dim3A : f32 to vector<16xf32>
    %broadcast_in_dim3A_2 = arith.constant 0.000000e+00 : f32
    %broadcast_in_dim3A_3 = vector.broadcast %broadcast_in_dim3A_2 : f32 to vector<16xf32>
    %swap3A = arith.constant 0 : index
    %swap3A_4 = tpu.vector_load %arg5[%swap3A] {strides = array<i32>} : memref<128xf32, #tpu.memory_space<vmem>>, vector<16xf32>,
    %swap3A_5 = vector.shape_cast %swap3A_4 : vector<16xf32> to vector<16xf32>
    %swap3A_6 = vector.shape_cast %broadcast_in_dim3A_1 : vector<16xf32> to vector<16xf32>
    tpu.vector_store %arg5[%swap3A], %swap3A_6 {strides = array<i32>} : memref<128xf32, #tpu.memory_space<vmem>>, vector<16xf32>,
    %swap3A_7 = arith.constant 16 : index
    %swap3A_8 = tpu.vector_load %arg5[%swap3A_7] {strides = array<i32>} : memref<128xf32, #tpu.memory_space<vmem>>, vector<16xf32>,
    %swap3A_9 = vector.shape_cast %swap3A_8 : vector<16xf32> to vector<16xf32>
    %swap3A_10 = vector.shape_cast %broadcast_in_dim3A_1 : vector<16xf32> to vector<16xf32>
    tpu.vector_store %arg5[%swap3A_7], %swap3A_10 {strides = array<i32>} : memref<128xf32, #tpu.memory_space<vmem>>, vector<16xf32>,
    %swap3A_11 = arith.constant 32 : index
    %swap3A_12 = tpu.vector_load %arg5[%swap3A_11] {strides = array<i32>} : memref<128xf32, #tpu.memory_space<vmem>>, vector<16xf32>,
    %swap3A_13 = vector.shape_cast %swap3A_12 : vector<16xf32> to vector<16xf32>
    %swap3A_14 = vector.shape_cast %broadcast_in_dim3A_1 : vector<16xf32> to vector<16xf32>
    tpu.vector_store %arg5[%swap3A_11], %swap3A_14 {strides = array<i32>} : memref<128xf32, #tpu.memory_space<vmem>>, vector<16xf32>,
    %swap3A_15 = arith.constant 48 : index
    %swap3A_16 = tpu.vector_load %arg5[%swap3A_15] {strides = array<i32>} : memref<128xf32, #tpu.memory_space<vmem>>, vector<16xf32>,
    %swap3A_17 = vector.shape_cast %swap3A_16 : vector<16xf32> to vector<16xf32>
    %swap3A_18 = vector.shape_cast %broadcast_in_dim3A_1 : vector<16xf32> to vector<16xf32>
    tpu.vector_store %arg5[%swap3A_15], %swap3A_18 {strides = array<i32>} : memref<128xf32, #tpu.memory_space<vmem>>, vector<16xf32>,
    %swap3A_19 = arith.constant 64 : index
    %swap3A_20 = tpu.vector_load %arg5[%swap3A_19] {strides = array<i32>} : memref<128xf32, #tpu.memory_space<vmem>>, vector<16xf32>,
    %swap3A_21 = vector.shape_cast %swap3A_20 : vector<16xf32> to vector<16xf32>
    %swap3A_22 = vector.shape_cast %broadcast_in_dim3A_1 : vector<16xf32> to vector<16xf32>
    tpu.vector_store %arg5[%swap3A_19], %swap3A_22 {strides = array<i32>} : memref<128xf32, #tpu.memory_space<vmem>>, vector<16xf32>,
    %swap3A_23 = arith.constant 80 : index
    %swap3A_24 = tpu.vector_load %arg5[%swap3A_23] {strides = array<i32>} : memref<128xf32, #tpu.memory_space<vmem>>, vector<16xf32>,
    %swap3A_25 = vector.shape_cast %swap3A_24 : vector<16xf32> to vector<16xf32>
    %swap3A_26 = vector.shape_cast %broadcast_in_dim3A_1 : vector<16xf32> to vector<16xf32>
    tpu.vector_store %arg5[%swap3A_23], %swap3A_26 {strides = array<i32>} : memref<128xf32, #tpu.memory_space<vmem>>, vector<16xf32>,
    %swap3A_27 = arith.constant 96 : index
    %swap3A_28 = tpu.vector_load %arg5[%swap3A_27] {strides = array<i32>} : memref<128xf32, #tpu.memory_space<vmem>>, vector<16xf32>,
    %swap3A_29 = vector.shape_cast %swap3A_28 : vector<16xf32> to vector<16xf32>
    %swap3A_30 = vector.shape_cast %broadcast_in_dim3A_1 : vector<16xf32> to vector<16xf32>
    tpu.vector_store %arg5[%swap3A_27], %swap3A_30 {strides = array<i32>} : memref<128xf32, #tpu.memory_space<vmem>>, vector<16xf32>,
    %swap3A_31 = arith.constant 112 : index
    %swap3A_32 = tpu.vector_load %arg5[%swap3A_31] {strides = array<i32>} : memref<128xf32, #tpu.memory_space<vmem>>, vector<16xf32>,
    %swap3A_33 = vector.shape_cast %swap3A_32 : vector<16xf32> to vector<16xf32>
    %swap3A_34 = vector.shape_cast %broadcast_in_dim3A_1 : vector<16xf32> to vector<16xf32>
    tpu.vector_store %arg5[%swap3A_31], %swap3A_34 {strides = array<i32>} : memref<128xf32, #tpu.memory_space<vmem>>, vector<16xf32>,
    %swap3A_35 = arith.constant 0 : index
    %swap3A_36 = tpu.vector_load %arg6[%swap3A_35] {strides = array<i32>} : memref<640xf32, #tpu.memory_space<vmem>>, vector<16xf32>,
    %swap3A_37 = vector.shape_cast %swap3A_36 : vector<16xf32> to vector<16xf32>
    %swap3A_38 = vector.shape_cast %broadcast_in_dim3A_3 : vector<16xf32> to vector<16xf32>
    tpu.vector_store %arg6[%swap3A_35], %swap3A_38 {strides = array<i32>} : memref<640xf32, #tpu.memory_space<vmem>>, vector<16xf32>,
    %swap3A_39 = arith.constant 16 : index
    %swap3A_40 = tpu.vector_load %arg6[%swap3A_39] {strides = array<i32>} : memref<640xf32, #tpu.memory_space<vmem>>, vector<16xf32>,
    %swap3A_41 = vector.shape_cast %swap3A_40 : vector<16xf32> to vector<16xf32>
    %swap3A_42 = vector.shape_cast %broadcast_in_dim3A_3 : vector<16xf32> to vector<16xf32>
    tpu.vector_store %arg6[%swap3A_39], %swap3A_42 {strides = array<i32>} : memref<640xf32, #tpu.memory_space<vmem>>, vector<16xf32>,
    %swap3A_43 = arith.constant 32 : index
    %swap3A_44 = tpu.vector_load %arg6[%swap3A_43] {strides = array<i32>} : memref<640xf32, #tpu.memory_space<vmem>>, vector<16xf32>,
    %swap3A_45 = vector.shape_cast %swap3A_44 : vector<16xf32> to vector<16xf32>
    %swap3A_46 = vector.shape_cast %broadcast_in_dim3A_3 : vector<16xf32> to vector<16xf32>
    tpu.vector_store %arg6[%swap3A_43], %swap3A_46 {strides = array<i32>} : memref<640xf32, #tpu.memory_space<vmem>>, vector<16xf32>,
    %swap3A_47 = arith.constant 48 : index
    %swap3A_48 = tpu.vector_load %arg6[%swap3A_47] {strides = array<i32>} : memref<640xf32, #tpu.memory_space<vmem>>, vector<16xf32>,
    %swap3A_49 = vector.shape_cast %swap3A_48 : vector<16xf32> to vector<16xf32>
    %swap3A_50 = vector.shape_cast %broadcast_in_dim3A_3 : vector<16xf32> to vector<16xf32>
    tpu.vector_store %arg6[%swap3A_47], %swap3A_50 {strides = array<i32>} : memref<640xf32, #tpu.memory_space<vmem>>, vector<16xf32>,
    %swap3A_51 = arith.constant 64 : index
    %swap3A_52 = tpu.vector_load %arg6[%swap3A_51] {strides = array<i32>} : memref<640xf32, #tpu.memory_space<vmem>>, vector<16xf32>,
    %swap3A_53 = vector.shape_cast %swap3A_52 : vector<16xf32> to vector<16xf32>
    %swap3A_54 = vector.shape_cast %broadcast_in_dim3A_3 : vector<16xf32> to vector<16xf32>
    tpu.vector_store %arg6[%swap3A_51], %swap3A_54 {strides = array<i32>} : memref<640xf32, #tpu.memory_space<vmem>>, vector<16xf32>,
    %swap3A_55 = arith.constant 80 : index
    %swap3A_56 = tpu.vector_load %arg6[%swap3A_55] {strides = array<i32>} : memref<640xf32, #tpu.memory_space<vmem>>, vector<16xf32>,
    %swap3A_57 = vector.shape_cast %swap3A_56 : vector<16xf32> to vector<16xf32>
    %swap3A_58 = vector.shape_cast %broadcast_in_dim3A_3 : vector<16xf32> to vector<16xf32>
    tpu.vector_store %arg6[%swap3A_55], %swap3A_58 {strides = array<i32>} : memref<640xf32, #tpu.memory_space<vmem>>, vector<16xf32>,
    %swap3A_59 = arith.constant 96 : index
    %swap3A_60 = tpu.vector_load %arg6[%swap3A_59] {strides = array<i32>} : memref<640xf32, #tpu.memory_space<vmem>>, vector<16xf32>,
    %swap3A_61 = vector.shape_cast %swap3A_60 : vector<16xf32> to vector<16xf32>
    %swap3A_62 = vector.shape_cast %broadcast_in_dim3A_3 : vector<16xf32> to vector<16xf32>
    tpu.vector_store %arg6[%swap3A_59], %swap3A_62 {strides = array<i32>} : memref<640xf32, #tpu.memory_space<vmem>>, vector<16xf32>,
    %swap3A_63 = arith.constant 112 : index
    %swap3A_64 = tpu.vector_load %arg6[%swap3A_63] {strides = array<i32>} : memref<640xf32, #tpu.memory_space<vmem>>, vector<16xf32>,
    %swap3A_65 = vector.shape_cast %swap3A_64 : vector<16xf32> to vector<16xf32>
    %swap3A_66 = vector.shape_cast %broadcast_in_dim3A_3 : vector<16xf32> to vector<16xf32>
    tpu.vector_store %arg6[%swap3A_63], %swap3A_66 {strides = array<i32>} : memref<640xf32, #tpu.memory_space<vmem>>, vector<16xf32>,
    %swap3A_67 = arith.constant 128 : index
    %swap3A_68 = tpu.vector_load %arg6[%swap3A_67] {strides = array<i32>} : memref<640xf32, #tpu.memory_space<vmem>>, vector<16xf32>,
    %swap3A_69 = vector.shape_cast %swap3A_68 : vector<16xf32> to vector<16xf32>
    %swap3A_70 = vector.shape_cast %broadcast_in_dim3A_3 : vector<16xf32> to vector<16xf32>
    tpu.vector_store %arg6[%swap3A_67], %swap3A_70 {strides = array<i32>} : memref<640xf32, #tpu.memory_space<vmem>>, vector<16xf32>,
    %swap3A_71 = arith.constant 144 : index
    %swap3A_72 = tpu.vector_load %arg6[%swap3A_71] {strides = array<i32>} : memref<640xf32, #tpu.memory_space<vmem>>, vector<16xf32>,
    %swap3A_73 = vector.shape_cast %swap3A_72 : vector<16xf32> to vector<16xf32>
    %swap3A_74 = vector.shape_cast %broadcast_in_dim3A_3 : vector<16xf32> to vector<16xf32>
    tpu.vector_store %arg6[%swap3A_71], %swap3A_74 {strides = array<i32>} : memref<640xf32, #tpu.memory_space<vmem>>, vector<16xf32>,
    %swap3A_75 = arith.constant 160 : index
    %swap3A_76 = tpu.vector_load %arg6[%swap3A_75] {strides = array<i32>} : memref<640xf32, #tpu.memory_space<vmem>>, vector<16xf32>,
    %swap3A_77 = vector.shape_cast %swap3A_76 : vector<16xf32> to vector<16xf32>
    %swap3A_78 = vector.shape_cast %broadcast_in_dim3A_3 : vector<16xf32> to vector<16xf32>
    tpu.vector_store %arg6[%swap3A_75], %swap3A_78 {strides = array<i32>} : memref<640xf32, #tpu.memory_space<vmem>>, vector<16xf32>,
    %swap3A_79 = arith.constant 176 : index
    %swap3A_80 = tpu.vector_load %arg6[%swap3A_79] {strides = array<i32>} : memref<640xf32, #tpu.memory_space<vmem>>, vector<16xf32>,
    %swap3A_81 = vector.shape_cast %swap3A_80 : vector<16xf32> to vector<16xf32>
    %swap3A_82 = vector.shape_cast %broadcast_in_dim3A_3 : vector<16xf32> to vector<16xf32>
    tpu.vector_store %arg6[%swap3A_79], %swap3A_82 {strides = array<i32>} : memref<640xf32, #tpu.memory_space<vmem>>, vector<16xf32>,
    %swap3A_83 = arith.constant 192 : index
    %swap3A_84 = tpu.vector_load %arg6[%swap3A_83] {strides = array<i32>} : memref<640xf32, #tpu.memory_space<vmem>>, vector<16xf32>,
    %swap3A_85 = vector.shape_cast %swap3A_84 : vector<16xf32> to vector<16xf32>
    %swap3A_86 = vector.shape_cast %broadcast_in_dim3A_3 : vector<16xf32> to vector<16xf32>
    tpu.vector_store %arg6[%swap3A_83], %swap3A_86 {strides = array<i32>} : memref<640xf32, #tpu.memory_space<vmem>>, vector<16xf32>,
    %swap3A_87 = arith.constant 208 : index
    %swap3A_88 = tpu.vector_load %arg6[%swap3A_87] {strides = array<i32>} : memref<640xf32, #tpu.memory_space<vmem>>, vector<16xf32>,
    %swap3A_89 = vector.shape_cast %swap3A_88 : vector<16xf32> to vector<16xf32>
    %swap3A_90 = vector.shape_cast %broadcast_in_dim3A_3 : vector<16xf32> to vector<16xf32>
    tpu.vector_store %arg6[%swap3A_87], %swap3A_90 {strides = array<i32>} : memref<640xf32, #tpu.memory_space<vmem>>, vector<16xf32>,
    %swap3A_91 = arith.constant 224 : index
    %swap3A_92 = tpu.vector_load %arg6[%swap3A_91] {strides = array<i32>} : memref<640xf32, #tpu.memory_space<vmem>>, vector<16xf32>,
    %swap3A_93 = vector.shape_cast %swap3A_92 : vector<16xf32> to vector<16xf32>
    %swap3A_94 = vector.shape_cast %broadcast_in_dim3A_3 : vector<16xf32> to vector<16xf32>
    tpu.vector_store %arg6[%swap3A_91], %swap3A_94 {strides = array<i32>} : memref<640xf32, #tpu.memory_space<vmem>>, vector<16xf32>,
    %swap3A_95 = arith.constant 240 : index
    %swap3A_96 = tpu.vector_load %arg6[%swap3A_95] {strides = array<i32>} : memref<640xf32, #tpu.memory_space<vmem>>, vector<16xf32>,
    %swap3A_97 = vector.shape_cast %swap3A_96 : vector<16xf32> to vector<16xf32>
    %swap3A_98 = vector.shape_cast %broadcast_in_dim3A_3 : vector<16xf32> to vector<16xf32>
    tpu.vector_store %arg6[%swap3A_95], %swap3A_98 {strides = array<i32>} : memref<640xf32, #tpu.memory_space<vmem>>, vector<16xf32>,
    %swap3A_99 = arith.constant 256 : index
    %swap3A_100 = tpu.vector_load %arg6[%swap3A_99] {strides = array<i32>} : memref<640xf32, #tpu.memory_space<vmem>>, vector<16xf32>,
    %swap3A_101 = vector.shape_cast %swap3A_100 : vector<16xf32> to vector<16xf32>
    %swap3A_102 = vector.shape_cast %broadcast_in_dim3A_3 : vector<16xf32> to vector<16xf32>
    tpu.vector_store %arg6[%swap3A_99], %swap3A_102 {strides = array<i32>} : memref<640xf32, #tpu.memory_space<vmem>>, vector<16xf32>,
    %swap3A_103 = arith.constant 272 : index
    %swap3A_104 = tpu.vector_load %arg6[%swap3A_103] {strides = array<i32>} : memref<640xf32, #tpu.memory_space<vmem>>, vector<16xf32>,
    %swap3A_105 = vector.shape_cast %swap3A_104 : vector<16xf32> to vector<16xf32>
    %swap3A_106 = vector.shape_cast %broadcast_in_dim3A_3 : vector<16xf32> to vector<16xf32>
    tpu.vector_store %arg6[%swap3A_103], %swap3A_106 {strides = array<i32>} : memref<640xf32, #tpu.memory_space<vmem>>, vector<16xf32>,
    %swap3A_107 = arith.constant 288 : index
    %swap3A_108 = tpu.vector_load %arg6[%swap3A_107] {strides = array<i32>} : memref<640xf32, #tpu.memory_space<vmem>>, vector<16xf32>,
    %swap3A_109 = vector.shape_cast %swap3A_108 : vector<16xf32> to vector<16xf32>
    %swap3A_110 = vector.shape_cast %broadcast_in_dim3A_3 : vector<16xf32> to vector<16xf32>
    tpu.vector_store %arg6[%swap3A_107], %swap3A_110 {strides = array<i32>} : memref<640xf32, #tpu.memory_space<vmem>>, vector<16xf32>,
    %swap3A_111 = arith.constant 304 : index
    %swap3A_112 = tpu.vector_load %arg6[%swap3A_111] {strides = array<i32>} : memref<640xf32, #tpu.memory_space<vmem>>, vector<16xf32>,
    %swap3A_113 = vector.shape_cast %swap3A_112 : vector<16xf32> to vector<16xf32>
    %swap3A_114 = vector.shape_cast %broadcast_in_dim3A_3 : vector<16xf32> to vector<16xf32>
    tpu.vector_store %arg6[%swap3A_111], %swap3A_114 {strides = array<i32>} : memref<640xf32, #tpu.memory_space<vmem>>, vector<16xf32>,
    %swap3A_115 = arith.constant 320 : index
    %swap3A_116 = tpu.vector_load %arg6[%swap3A_115] {strides = array<i32>} : memref<640xf32, #tpu.memory_space<vmem>>, vector<16xf32>,
    %swap3A_117 = vector.shape_cast %swap3A_116 : vector<16xf32> to vector<16xf32>
    %swap3A_118 = vector.shape_cast %broadcast_in_dim3A_3 : vector<16xf32> to vector<16xf32>
    tpu.vector_store %arg6[%swap3A_115], %swap3A_118 {strides = array<i32>} : memref<640xf32, #tpu.memory_space<vmem>>, vector<16xf32>,
    %swap3A_119 = arith.constant 336 : index
    %swap3A_120 = tpu.vector_load %arg6[%swap3A_119] {strides = array<i32>} : memref<640xf32, #tpu.memory_space<vmem>>, vector<16xf32>,
    %swap3A_121 = vector.shape_cast %swap3A_120 : vector<16xf32> to vector<16xf32>
    %swap3A_122 = vector.shape_cast %broadcast_in_dim3A_3 : vector<16xf32> to vector<16xf32>
    tpu.vector_store %arg6[%swap3A_119], %swap3A_122 {strides = array<i32>} : memref<640xf32, #tpu.memory_space<vmem>>, vector<16xf32>,
    %swap3A_123 = arith.constant 352 : index
    %swap3A_124 = tpu.vector_load %arg6[%swap3A_123] {strides = array<i32>} : memref<640xf32, #tpu.memory_space<vmem>>, vector<16xf32>,
    %swap3A_125 = vector.shape_cast %swap3A_124 : vector<16xf32> to vector<16xf32>
    %swap3A_126 = vector.shape_cast %broadcast_in_dim3A_3 : vector<16xf32> to vector<16xf32>
    tpu.vector_store %arg6[%swap3A_123], %swap3A_126 {strides = array<i32>} : memref<640xf32, #tpu.memory_space<vmem>>, vector<16xf32>,
    %swap3A_127 = arith.constant 368 : index
    %swap3A_128 = tpu.vector_load %arg6[%swap3A_127] {strides = array<i32>} : memref<640xf32, #tpu.memory_space<vmem>>, vector<16xf32>,
    %swap3A_129 = vector.shape_cast %swap3A_128 : vector<16xf32> to vector<16xf32>
    %swap3A_130 = vector.shape_cast %broadcast_in_dim3A_3 : vector<16xf32> to vector<16xf32>
    tpu.vector_store %arg6[%swap3A_127], %swap3A_130 {strides = array<i32>} : memref<640xf32, #tpu.memory_space<vmem>>, vector<16xf32>,
    %swap3A_131 = arith.constant 384 : index
    %swap3A_132 = tpu.vector_load %arg6[%swap3A_131] {strides = array<i32>} : memref<640xf32, #tpu.memory_space<vmem>>, vector<16xf32>,
    %swap3A_133 = vector.shape_cast %swap3A_132 : vector<16xf32> to vector<16xf32>
    %swap3A_134 = vector.shape_cast %broadcast_in_dim3A_3 : vector<16xf32> to vector<16xf32>
    tpu.vector_store %arg6[%swap3A_131], %swap3A_134 {strides = array<i32>} : memref<640xf32, #tpu.memory_space<vmem>>, vector<16xf32>,
    %swap3A_135 = arith.constant 400 : index
    %swap3A_136 = tpu.vector_load %arg6[%swap3A_135] {strides = array<i32>} : memref<640xf32, #tpu.memory_space<vmem>>, vector<16xf32>,
    %swap3A_137 = vector.shape_cast %swap3A_136 : vector<16xf32> to vector<16xf32>
    %swap3A_138 = vector.shape_cast %broadcast_in_dim3A_3 : vector<16xf32> to vector<16xf32>
    tpu.vector_store %arg6[%swap3A_135], %swap3A_138 {strides = array<i32>} : memref<640xf32, #tpu.memory_space<vmem>>, vector<16xf32>,
    %swap3A_139 = arith.constant 416 : index
    %swap3A_140 = tpu.vector_load %arg6[%swap3A_139] {strides = array<i32>} : memref<640xf32, #tpu.memory_space<vmem>>, vector<16xf32>,
    %swap3A_141 = vector.shape_cast %swap3A_140 : vector<16xf32> to vector<16xf32>
    %swap3A_142 = vector.shape_cast %broadcast_in_dim3A_3 : vector<16xf32> to vector<16xf32>
    tpu.vector_store %arg6[%swap3A_139], %swap3A_142 {strides = array<i32>} : memref<640xf32, #tpu.memory_space<vmem>>, vector<16xf32>,
    %swap3A_143 = arith.constant 432 : index
    %swap3A_144 = tpu.vector_load %arg6[%swap3A_143] {strides = array<i32>} : memref<640xf32, #tpu.memory_space<vmem>>, vector<16xf32>,
    %swap3A_145 = vector.shape_cast %swap3A_144 : vector<16xf32> to vector<16xf32>
    %swap3A_146 = vector.shape_cast %broadcast_in_dim3A_3 : vector<16xf32> to vector<16xf32>
    tpu.vector_store %arg6[%swap3A_143], %swap3A_146 {strides = array<i32>} : memref<640xf32, #tpu.memory_space<vmem>>, vector<16xf32>,
    %swap3A_147 = arith.constant 448 : index
    %swap3A_148 = tpu.vector_load %arg6[%swap3A_147] {strides = array<i32>} : memref<640xf32, #tpu.memory_space<vmem>>, vector<16xf32>,
    %swap3A_149 = vector.shape_cast %swap3A_148 : vector<16xf32> to vector<16xf32>
    %swap3A_150 = vector.shape_cast %broadcast_in_dim3A_3 : vector<16xf32> to vector<16xf32>
    tpu.vector_store %arg6[%swap3A_147], %swap3A_150 {strides = array<i32>} : memref<640xf32, #tpu.memory_space<vmem>>, vector<16xf32>,
    %swap3A_151 = arith.constant 464 : index
    %swap3A_152 = tpu.vector_load %arg6[%swap3A_151] {strides = array<i32>} : memref<640xf32, #tpu.memory_space<vmem>>, vector<16xf32>,
    %swap3A_153 = vector.shape_cast %swap3A_152 : vector<16xf32> to vector<16xf32>
    %swap3A_154 = vector.shape_cast %broadcast_in_dim3A_3 : vector<16xf32> to vector<16xf32>
    tpu.vector_store %arg6[%swap3A_151], %swap3A_154 {strides = array<i32>} : memref<640xf32, #tpu.memory_space<vmem>>, vector<16xf32>,
    %swap3A_155 = arith.constant 480 : index
    %swap3A_156 = tpu.vector_load %arg6[%swap3A_155] {strides = array<i32>} : memref<640xf32, #tpu.memory_space<vmem>>, vector<16xf32>,
    %swap3A_157 = vector.shape_cast %swap3A_156 : vector<16xf32> to vector<16xf32>
    %swap3A_158 = vector.shape_cast %broadcast_in_dim3A_3 : vector<16xf32> to vector<16xf32>
    tpu.vector_store %arg6[%swap3A_155], %swap3A_158 {strides = array<i32>} : memref<640xf32, #tpu.memory_space<vmem>>, vector<16xf32>,
    %swap3A_159 = arith.constant 496 : index
    %swap3A_160 = tpu.vector_load %arg6[%swap3A_159] {strides = array<i32>} : memref<640xf32, #tpu.memory_space<vmem>>, vector<16xf32>,
    %swap3A_161 = vector.shape_cast %swap3A_160 : vector<16xf32> to vector<16xf32>
    %swap3A_162 = vector.shape_cast %broadcast_in_dim3A_3 : vector<16xf32> to vector<16xf32>
    tpu.vector_store %arg6[%swap3A_159], %swap3A_162 {strides = array<i32>} : memref<640xf32, #tpu.memory_space<vmem>>, vector<16xf32>,
    %swap3A_163 = arith.constant 512 : index
    %swap3A_164 = tpu.vector_load %arg6[%swap3A_163] {strides = array<i32>} : memref<640xf32, #tpu.memory_space<vmem>>, vector<16xf32>,
    %swap3A_165 = vector.shape_cast %swap3A_164 : vector<16xf32> to vector<16xf32>
    %swap3A_166 = vector.shape_cast %broadcast_in_dim3A_3 : vector<16xf32> to vector<16xf32>
    tpu.vector_store %arg6[%swap3A_163], %swap3A_166 {strides = array<i32>} : memref<640xf32, #tpu.memory_space<vmem>>, vector<16xf32>,
    %swap3A_167 = arith.constant 528 : index
    %swap3A_168 = tpu.vector_load %arg6[%swap3A_167] {strides = array<i32>} : memref<640xf32, #tpu.memory_space<vmem>>, vector<16xf32>,
    %swap3A_169 = vector.shape_cast %swap3A_168 : vector<16xf32> to vector<16xf32>
    %swap3A_170 = vector.shape_cast %broadcast_in_dim3A_3 : vector<16xf32> to vector<16xf32>
    tpu.vector_store %arg6[%swap3A_167], %swap3A_170 {strides = array<i32>} : memref<640xf32, #tpu.memory_space<vmem>>, vector<16xf32>,
    %swap3A_171 = arith.constant 544 : index
    %swap3A_172 = tpu.vector_load %arg6[%swap3A_171] {strides = array<i32>} : memref<640xf32, #tpu.memory_space<vmem>>, vector<16xf32>,
    %swap3A_173 = vector.shape_cast %swap3A_172 : vector<16xf32> to vector<16xf32>
    %swap3A_174 = vector.shape_cast %broadcast_in_dim3A_3 : vector<16xf32> to vector<16xf32>
    tpu.vector_store %arg6[%swap3A_171], %swap3A_174 {strides = array<i32>} : memref<640xf32, #tpu.memory_space<vmem>>, vector<16xf32>,
    %swap3A_175 = arith.constant 560 : index
    %swap3A_176 = tpu.vector_load %arg6[%swap3A_175] {strides = array<i32>} : memref<640xf32, #tpu.memory_space<vmem>>, vector<16xf32>,
    %swap3A_177 = vector.shape_cast %swap3A_176 : vector<16xf32> to vector<16xf32>
    %swap3A_178 = vector.shape_cast %broadcast_in_dim3A_3 : vector<16xf32> to vector<16xf32>
    tpu.vector_store %arg6[%swap3A_175], %swap3A_178 {strides = array<i32>} : memref<640xf32, #tpu.memory_space<vmem>>, vector<16xf32>,
    %swap3A_179 = arith.constant 576 : index
    %swap3A_180 = tpu.vector_load %arg6[%swap3A_179] {strides = array<i32>} : memref<640xf32, #tpu.memory_space<vmem>>, vector<16xf32>,
    %swap3A_181 = vector.shape_cast %swap3A_180 : vector<16xf32> to vector<16xf32>
    %swap3A_182 = vector.shape_cast %broadcast_in_dim3A_3 : vector<16xf32> to vector<16xf32>
    tpu.vector_store %arg6[%swap3A_179], %swap3A_182 {strides = array<i32>} : memref<640xf32, #tpu.memory_space<vmem>>, vector<16xf32>,
    %swap3A_183 = arith.constant 592 : index
    %swap3A_184 = tpu.vector_load %arg6[%swap3A_183] {strides = array<i32>} : memref<640xf32, #tpu.memory_space<vmem>>, vector<16xf32>,
    %swap3A_185 = vector.shape_cast %swap3A_184 : vector<16xf32> to vector<16xf32>
    %swap3A_186 = vector.shape_cast %broadcast_in_dim3A_3 : vector<16xf32> to vector<16xf32>
    tpu.vector_store %arg6[%swap3A_183], %swap3A_186 {strides = array<i32>} : memref<640xf32, #tpu.memory_space<vmem>>, vector<16xf32>,
    %swap3A_187 = arith.constant 608 : index
    %swap3A_188 = tpu.vector_load %arg6[%swap3A_187] {strides = array<i32>} : memref<640xf32, #tpu.memory_space<vmem>>, vector<16xf32>,
    %swap3A_189 = vector.shape_cast %swap3A_188 : vector<16xf32> to vector<16xf32>
    %swap3A_190 = vector.shape_cast %broadcast_in_dim3A_3 : vector<16xf32> to vector<16xf32>
    tpu.vector_store %arg6[%swap3A_187], %swap3A_190 {strides = array<i32>} : memref<640xf32, #tpu.memory_space<vmem>>, vector<16xf32>,
    %swap3A_191 = arith.constant 624 : index
    %swap3A_192 = tpu.vector_load %arg6[%swap3A_191] {strides = array<i32>} : memref<640xf32, #tpu.memory_space<vmem>>, vector<16xf32>,
    %swap3A_193 = vector.shape_cast %swap3A_192 : vector<16xf32> to vector<16xf32>
    %swap3A_194 = vector.shape_cast %broadcast_in_dim3A_3 : vector<16xf32> to vector<16xf32>
    tpu.vector_store %arg6[%swap3A_191], %swap3A_194 {strides = array<i32>} : memref<640xf32, #tpu.memory_space<vmem>>, vector<16xf32>,
    "tpu.region"() ({
      %run_scoped3A = tpu.sem_alloc : memref<!tpu.dma_semaphore, #tpu.memory_space<semaphore_mem>>
      %dma_start3A = arith.constant 0 : i32
      %dma_start3A_207 = arith.constant 0 : i32
      %dma_start3A_208 = tpu.memref_slice %arg2[%add3A, %dma_start3A, %dma_start3A_207] : memref<32x160x128xi32, #tpu.memory_space<hbm>> -> memref<1x160x128xi32, #tpu.memory_space<hbm>>
      %dma_start3A_209 = tpu.memref_squeeze %dma_start3A_208 : memref<1x160x128xi32, #tpu.memory_space<hbm>> -> memref<160x128xi32, #tpu.memory_space<hbm>>
      %dma_start3A_210 = arith.constant 0 : i32
      %dma_start3A_211 = arith.constant 0 : i32
      %dma_start3A_212 = tpu.memref_slice %arg2[%add3A, %dma_start3A_210, %dma_start3A_211] : memref<32x160x128xi32, #tpu.memory_space<hbm>> -> memref<1x160x128xi32, #tpu.memory_space<hbm>>
      %dma_start3A_213 = tpu.memref_squeeze %dma_start3A_212 : memref<1x160x128xi32, #tpu.memory_space<hbm>> -> memref<160x128xi32, #tpu.memory_space<hbm>>
      tpu.enqueue_dma source(%dma_start3A_213 : memref<160x128xi32, #tpu.memory_space<hbm>>) target(%arg4 : memref<160x128xi32, #tpu.memory_space<vmem>>) target_semaphore(%run_scoped3A : memref<!tpu.dma_semaphore, #tpu.memory_space<semaphore_mem>>)
      %dma_wait3A = arith.constant 0 : i32
      %dma_wait3A_214 = arith.constant 0 : i32
      %dma_wait3A_215 = tpu.memref_slice %arg2[%add3A, %dma_wait3A, %dma_wait3A_214] : memref<32x160x128xi32, #tpu.memory_space<hbm>> -> memref<1x160x128xi32, #tpu.memory_space<hbm>>
      %dma_wait3A_216 = tpu.memref_squeeze %dma_wait3A_215 : memref<1x160x128xi32, #tpu.memory_space<hbm>> -> memref<160x128xi32, #tpu.memory_space<hbm>>
      %dma_wait3A_217 = arith.constant 0 : i32
      %dma_wait3A_218 = arith.constant 0 : i32
      %dma_wait3A_219 = tpu.memref_slice %arg2[%add3A, %dma_wait3A_217, %dma_wait3A_218] : memref<32x160x128xi32, #tpu.memory_space<hbm>> -> memref<1x160x128xi32, #tpu.memory_space<hbm>>
      %dma_wait3A_220 = tpu.memref_squeeze %dma_wait3A_219 : memref<1x160x128xi32, #tpu.memory_space<hbm>> -> memref<160x128xi32, #tpu.memory_space<hbm>>
      tpu.wait_dma2 semaphore(%run_scoped3A : memref<!tpu.dma_semaphore, #tpu.memory_space<semaphore_mem>>) src(%dma_wait3A_220 : memref<160x128xi32, #tpu.memory_space<hbm>>) dst(%arg4 : memref<160x128xi32, #tpu.memory_space<vmem>>)
      tpu.yield
    }) : () -> ()
    %mul3A_195 = arith.constant 640 : i32
    %mul3A_196 = arith.muli %arg1, %mul3A_195 : i32
    %multiple_of3A = tpu.assume_multiple %mul3A_196, 8 : i32
    "tpu.region"() ({
      %run_scoped3A = tpu.sem_alloc : memref<!tpu.dma_semaphore, #tpu.memory_space<semaphore_mem>>
      %dma_start3A = tpu.memref_slice %arg8[%multiple_of3A] : memref<10240xf32, #tpu.memory_space<vmem_shared>> -> memref<640xf32, #tpu.memory_space<vmem_shared>>
      %dma_start3A_207 = tpu.memref_slice %arg8[%multiple_of3A] : memref<10240xf32, #tpu.memory_space<vmem_shared>> -> memref<640xf32, #tpu.memory_space<vmem_shared>>
      tpu.enqueue_dma source(%arg6 : memref<640xf32, #tpu.memory_space<vmem>>) target(%dma_start3A_207 : memref<640xf32, #tpu.memory_space<vmem_shared>>) target_semaphore(%run_scoped3A : memref<!tpu.dma_semaphore, #tpu.memory_space<semaphore_mem>>)
      %dma_wait3A = tpu.memref_slice %arg8[%multiple_of3A] : memref<10240xf32, #tpu.memory_space<vmem_shared>> -> memref<640xf32, #tpu.memory_space<vmem_shared>>
      %dma_wait3A_208 = tpu.memref_slice %arg8[%multiple_of3A] : memref<10240xf32, #tpu.memory_space<vmem_shared>> -> memref<640xf32, #tpu.memory_space<vmem_shared>>
      tpu.wait_dma2 semaphore(%run_scoped3A : memref<!tpu.dma_semaphore, #tpu.memory_space<semaphore_mem>>) src(%arg6 : memref<640xf32, #tpu.memory_space<vmem>>) dst(%dma_wait3A_208 : memref<640xf32, #tpu.memory_space<vmem_shared>>)
      tpu.yield
    }) : () -> ()
    %barrier3A = arith.constant 0 : index
    tpu.barrier barrier_id(%barrier3A)
    %scan3A = arith.constant 0 : i32
    %scan3A_197 = arith.constant 0 : i32
    %scan3A_198 = arith.constant 160 : i32
    %scan3A_199 = arith.addi %scan3A_197, %scan3A_198 : i32
    %scan3A_200 = arith.constant 1 : i32
    scf.for %scan3A_207 = %scan3A_197 to %scan3A_199 step %scan3A_200  : i32 {
      "tpu.region"() ({
        %run_scoped3A = tpu.sem_alloc : memref<!tpu.dma_semaphore, #tpu.memory_space<semaphore_mem>>
        %dma_start3A = arith.constant 0 : i32
        %dma_start3A_208 = tpu.memref_slice %arg4[%scan3A_207, %dma_start3A] : memref<160x128xi32, #tpu.memory_space<vmem>> -> memref<1x128xi32, #tpu.memory_space<vmem>>
        %dma_start3A_209 = tpu.memref_squeeze %dma_start3A_208 : memref<1x128xi32, #tpu.memory_space<vmem>> -> memref<128xi32, #tpu.memory_space<vmem>>
        %dma_start3A_210 = arith.constant 0 : i32
        %dma_start3A_211 = tpu.memref_slice %arg8[%dma_start3A_210] : memref<10240xf32, #tpu.memory_space<vmem_shared>> -> memref<10240xf32, #tpu.memory_space<vmem_shared>>
        tpu.enqueue_indirect_dma source(%arg5 : memref<128xf32, #tpu.memory_space<vmem>>) target(%dma_start3A_211 : memref<10240xf32, #tpu.memory_space<vmem_shared>>) offsets(%dma_start3A_209 : memref<128xi32, #tpu.memory_space<vmem>>) semaphore(%run_scoped3A : memref<!tpu.dma_semaphore, #tpu.memory_space<semaphore_mem>>) {add = true}
        %dma_wait3A = arith.constant 0 : i32
        %dma_wait3A_212 = tpu.memref_slice %arg4[%scan3A_207, %dma_wait3A] : memref<160x128xi32, #tpu.memory_space<vmem>> -> memref<1x128xi32, #tpu.memory_space<vmem>>
        %dma_wait3A_213 = tpu.memref_squeeze %dma_wait3A_212 : memref<1x128xi32, #tpu.memory_space<vmem>> -> memref<128xi32, #tpu.memory_space<vmem>>
        %dma_wait3A_214 = arith.constant 0 : i32
        %dma_wait3A_215 = tpu.memref_slice %arg8[%dma_wait3A_214] : memref<10240xf32, #tpu.memory_space<vmem_shared>> -> memref<10240xf32, #tpu.memory_space<vmem_shared>>
        tpu.wait_indirect_dma semaphore(%run_scoped3A : memref<!tpu.dma_semaphore, #tpu.memory_space<semaphore_mem>>) src(%arg5 : memref<128xf32, #tpu.memory_space<vmem>>) dst(%dma_wait3A_215 : memref<10240xf32, #tpu.memory_space<vmem_shared>>)
        tpu.yield
      }) : () -> ()
    }
    %scan3A_201 = arith.constant 160 : i32
    %barrier3A_202 = arith.constant 0 : index
    tpu.barrier barrier_id(%barrier3A_202)
    "tpu.region"() ({
      %run_scoped3A = tpu.sem_alloc : memref<!tpu.dma_semaphore, #tpu.memory_space<semaphore_mem>>
      %dma_start3A = tpu.memref_slice %arg8[%multiple_of3A] : memref<10240xf32, #tpu.memory_space<vmem_shared>> -> memref<640xf32, #tpu.memory_space<vmem_shared>>
      %dma_start3A_207 = tpu.memref_slice %arg8[%multiple_of3A] : memref<10240xf32, #tpu.memory_space<vmem_shared>> -> memref<640xf32, #tpu.memory_space<vmem_shared>>
      tpu.enqueue_dma source(%dma_start3A_207 : memref<640xf32, #tpu.memory_space<vmem_shared>>) target(%arg7 : memref<640xf32, #tpu.memory_space<vmem>>) target_semaphore(%run_scoped3A : memref<!tpu.dma_semaphore, #tpu.memory_space<semaphore_mem>>)
      %dma_wait3A = tpu.memref_slice %arg8[%multiple_of3A] : memref<10240xf32, #tpu.memory_space<vmem_shared>> -> memref<640xf32, #tpu.memory_space<vmem_shared>>
      %dma_wait3A_208 = tpu.memref_slice %arg8[%multiple_of3A] : memref<10240xf32, #tpu.memory_space<vmem_shared>> -> memref<640xf32, #tpu.memory_space<vmem_shared>>
      tpu.wait_dma2 semaphore(%run_scoped3A : memref<!tpu.dma_semaphore, #tpu.memory_space<semaphore_mem>>) src(%dma_wait3A_208 : memref<640xf32, #tpu.memory_space<vmem_shared>>) dst(%arg7 : memref<640xf32, #tpu.memory_space<vmem>>)
      tpu.yield
    }) : () -> ()
    %mul3A_203 = arith.constant 10240 : i32
    %mul3A_204 = arith.muli %arg0, %mul3A_203 : i32
    %add3A_205 = arith.addi %mul3A_204, %multiple_of3A : i32
    %multiple_of3A_206 = tpu.assume_multiple %add3A_205, 8 : i32
    "tpu.region"() ({
      %run_scoped3A = tpu.sem_alloc : memref<!tpu.dma_semaphore, #tpu.memory_space<semaphore_mem>>
      %dma_start3A = tpu.memref_slice %arg3[%multiple_of3A_206] : memref<20480xf32, #tpu.memory_space<hbm>> -> memref<640xf32, #tpu.memory_space<hbm>>
      %dma_start3A_207 = tpu.memref_slice %arg3[%multiple_of3A_206] : memref<20480xf32, #tpu.memory_space<hbm>> -> memref<640xf32, #tpu.memory_space<hbm>>
      tpu.enqueue_dma source(%arg7 : memref<640xf32, #tpu.memory_space<vmem>>) target(%dma_start3A_207 : memref<640xf32, #tpu.memory_space<hbm>>) target_semaphore(%run_scoped3A : memref<!tpu.dma_semaphore, #tpu.memory_space<semaphore_mem>>)
      %dma_wait3A = tpu.memref_slice %arg3[%multiple_of3A_206] : memref<20480xf32, #tpu.memory_space<hbm>> -> memref<640xf32, #tpu.memory_space<hbm>>
      %dma_wait3A_208 = tpu.memref_slice %arg3[%multiple_of3A_206] : memref<20480xf32, #tpu.memory_space<hbm>> -> memref<640xf32, #tpu.memory_space<hbm>>
      tpu.wait_dma2 semaphore(%run_scoped3A : memref<!tpu.dma_semaphore, #tpu.memory_space<semaphore_mem>>) src(%arg7 : memref<640xf32, #tpu.memory_space<vmem>>) dst(%dma_wait3A_208 : memref<640xf32, #tpu.memory_space<hbm>>)
      tpu.yield
    }) : () -> ()
    return
  }
}

#map = affine_map<(d0, d1) -> (0, 0)>
#map1 = affine_map<(d0, d1) -> (0)>
#map2 = affine_map<(d0, d1) -> (0, 0, 0)>
module attributes {stable_mosaic.version = 14 : i64} {
  func.func @_msg_body(%arg0: i32, %arg1: i32, %arg2: memref<20000x128xf32, #tpu.memory_space<hbm>>, %arg3: memref<655360xi32, #tpu.memory_space<hbm>>, %arg4: memref<655360xi32, #tpu.memory_space<hbm>>, %arg5: memref<128x128xf32, #tpu.memory_space<hbm>>, %arg6: memref<2x10240x128xf32, #tpu.memory_space<hbm>>, %arg7: memref<2048xi32, #tpu.memory_space<vmem>>, %arg8: memref<2048xi32, #tpu.memory_space<vmem>>, %arg9: memref<2048xi32, #tpu.memory_space<vmem>>, %arg10: memref<2048xi32, #tpu.memory_space<vmem>>, %arg11: memref<128x128xf32, #tpu.memory_space<vmem>>, %arg12: memref<128x128xf32, #tpu.memory_space<vmem>>, %arg13: memref<!tpu.dma_semaphore, #tpu.memory_space<semaphore_mem>>, %arg14: memref<!tpu.dma_semaphore, #tpu.memory_space<semaphore_mem>>, %arg15: memref<!tpu.dma_semaphore, #tpu.memory_space<semaphore_mem>>, %arg16: memref<10240x128xf32, #tpu.memory_space<vmem_shared>>) attributes {dimension_semantics = [#tpu.dimension_semantics<core_parallel>, #tpu.dimension_semantics<subcore_parallel>], iteration_bounds = array<i64: 2, 16>, scalar_prefetch = 0 : i64, scratch_operands = 10 : i64, tpu.core_type = #tpu.core_type<sc_vector_subcore>, window_params = [{transform_indices = #map}, {transform_indices = #map1}, {transform_indices = #map1}, {transform_indices = #map}, {transform_indices = #map2}]} {
    %mul3A = arith.constant 16 : i32
    %mul3A_0 = arith.muli %arg0, %mul3A : i32
    %add3A = arith.addi %mul3A_0, %arg1 : i32
    %mul3A_1 = arith.constant 20480 : i32
    %mul3A_2 = arith.muli %add3A, %mul3A_1 : i32
    %multiple_of3A = tpu.assume_multiple %mul3A_2, 8 : i32
    "tpu.region"() ({
      %run_scoped3A = tpu.sem_alloc : memref<!tpu.dma_semaphore, #tpu.memory_space<semaphore_mem>>
      tpu.enqueue_dma source(%arg5 : memref<128x128xf32, #tpu.memory_space<hbm>>) target(%arg11 : memref<128x128xf32, #tpu.memory_space<vmem>>) target_semaphore(%run_scoped3A : memref<!tpu.dma_semaphore, #tpu.memory_space<semaphore_mem>>)
      tpu.wait_dma2 semaphore(%run_scoped3A : memref<!tpu.dma_semaphore, #tpu.memory_space<semaphore_mem>>) src(%arg5 : memref<128x128xf32, #tpu.memory_space<hbm>>) dst(%arg11 : memref<128x128xf32, #tpu.memory_space<vmem>>)
      tpu.yield
    }) : () -> ()
    %mul3A_3 = arith.constant 640 : i32
    %mul3A_4 = arith.muli %arg1, %mul3A_3 : i32
    %add3A_5 = arith.constant 0 : i32
    %add3A_6 = arith.addi %mul3A_4, %add3A_5 : i32
    "tpu.region"() ({
      %run_scoped3A = tpu.sem_alloc : memref<!tpu.dma_semaphore, #tpu.memory_space<semaphore_mem>>
      %dma_start3A_47 = arith.constant 0 : i32
      %dma_start3A_48 = tpu.memref_slice %arg16[%add3A_6, %dma_start3A_47] : memref<10240x128xf32, #tpu.memory_space<vmem_shared>> -> memref<128x128xf32, #tpu.memory_space<vmem_shared>>
      %dma_start3A_49 = arith.constant 0 : i32
      %dma_start3A_50 = tpu.memref_slice %arg16[%add3A_6, %dma_start3A_49] : memref<10240x128xf32, #tpu.memory_space<vmem_shared>> -> memref<128x128xf32, #tpu.memory_space<vmem_shared>>
      tpu.enqueue_dma source(%arg11 : memref<128x128xf32, #tpu.memory_space<vmem>>) target(%dma_start3A_50 : memref<128x128xf32, #tpu.memory_space<vmem_shared>>) target_semaphore(%run_scoped3A : memref<!tpu.dma_semaphore, #tpu.memory_space<semaphore_mem>>)
      %dma_wait3A = arith.constant 0 : i32
      %dma_wait3A_51 = tpu.memref_slice %arg16[%add3A_6, %dma_wait3A] : memref<10240x128xf32, #tpu.memory_space<vmem_shared>> -> memref<128x128xf32, #tpu.memory_space<vmem_shared>>
      %dma_wait3A_52 = arith.constant 0 : i32
      %dma_wait3A_53 = tpu.memref_slice %arg16[%add3A_6, %dma_wait3A_52] : memref<10240x128xf32, #tpu.memory_space<vmem_shared>> -> memref<128x128xf32, #tpu.memory_space<vmem_shared>>
      tpu.wait_dma2 semaphore(%run_scoped3A : memref<!tpu.dma_semaphore, #tpu.memory_space<semaphore_mem>>) src(%arg11 : memref<128x128xf32, #tpu.memory_space<vmem>>) dst(%dma_wait3A_53 : memref<128x128xf32, #tpu.memory_space<vmem_shared>>)
      tpu.yield
    }) : () -> ()
    %add3A_7 = arith.constant 128 : i32
    %add3A_8 = arith.addi %mul3A_4, %add3A_7 : i32
    "tpu.region"() ({
      %run_scoped3A = tpu.sem_alloc : memref<!tpu.dma_semaphore, #tpu.memory_space<semaphore_mem>>
      %dma_start3A_47 = arith.constant 0 : i32
      %dma_start3A_48 = tpu.memref_slice %arg16[%add3A_8, %dma_start3A_47] : memref<10240x128xf32, #tpu.memory_space<vmem_shared>> -> memref<128x128xf32, #tpu.memory_space<vmem_shared>>
      %dma_start3A_49 = arith.constant 0 : i32
      %dma_start3A_50 = tpu.memref_slice %arg16[%add3A_8, %dma_start3A_49] : memref<10240x128xf32, #tpu.memory_space<vmem_shared>> -> memref<128x128xf32, #tpu.memory_space<vmem_shared>>
      tpu.enqueue_dma source(%arg11 : memref<128x128xf32, #tpu.memory_space<vmem>>) target(%dma_start3A_50 : memref<128x128xf32, #tpu.memory_space<vmem_shared>>) target_semaphore(%run_scoped3A : memref<!tpu.dma_semaphore, #tpu.memory_space<semaphore_mem>>)
      %dma_wait3A = arith.constant 0 : i32
      %dma_wait3A_51 = tpu.memref_slice %arg16[%add3A_8, %dma_wait3A] : memref<10240x128xf32, #tpu.memory_space<vmem_shared>> -> memref<128x128xf32, #tpu.memory_space<vmem_shared>>
      %dma_wait3A_52 = arith.constant 0 : i32
      %dma_wait3A_53 = tpu.memref_slice %arg16[%add3A_8, %dma_wait3A_52] : memref<10240x128xf32, #tpu.memory_space<vmem_shared>> -> memref<128x128xf32, #tpu.memory_space<vmem_shared>>
      tpu.wait_dma2 semaphore(%run_scoped3A : memref<!tpu.dma_semaphore, #tpu.memory_space<semaphore_mem>>) src(%arg11 : memref<128x128xf32, #tpu.memory_space<vmem>>) dst(%dma_wait3A_53 : memref<128x128xf32, #tpu.memory_space<vmem_shared>>)
      tpu.yield
    }) : () -> ()
    %add3A_9 = arith.constant 256 : i32
    %add3A_10 = arith.addi %mul3A_4, %add3A_9 : i32
    "tpu.region"() ({
      %run_scoped3A = tpu.sem_alloc : memref<!tpu.dma_semaphore, #tpu.memory_space<semaphore_mem>>
      %dma_start3A_47 = arith.constant 0 : i32
      %dma_start3A_48 = tpu.memref_slice %arg16[%add3A_10, %dma_start3A_47] : memref<10240x128xf32, #tpu.memory_space<vmem_shared>> -> memref<128x128xf32, #tpu.memory_space<vmem_shared>>
      %dma_start3A_49 = arith.constant 0 : i32
      %dma_start3A_50 = tpu.memref_slice %arg16[%add3A_10, %dma_start3A_49] : memref<10240x128xf32, #tpu.memory_space<vmem_shared>> -> memref<128x128xf32, #tpu.memory_space<vmem_shared>>
      tpu.enqueue_dma source(%arg11 : memref<128x128xf32, #tpu.memory_space<vmem>>) target(%dma_start3A_50 : memref<128x128xf32, #tpu.memory_space<vmem_shared>>) target_semaphore(%run_scoped3A : memref<!tpu.dma_semaphore, #tpu.memory_space<semaphore_mem>>)
      %dma_wait3A = arith.constant 0 : i32
      %dma_wait3A_51 = tpu.memref_slice %arg16[%add3A_10, %dma_wait3A] : memref<10240x128xf32, #tpu.memory_space<vmem_shared>> -> memref<128x128xf32, #tpu.memory_space<vmem_shared>>
      %dma_wait3A_52 = arith.constant 0 : i32
      %dma_wait3A_53 = tpu.memref_slice %arg16[%add3A_10, %dma_wait3A_52] : memref<10240x128xf32, #tpu.memory_space<vmem_shared>> -> memref<128x128xf32, #tpu.memory_space<vmem_shared>>
      tpu.wait_dma2 semaphore(%run_scoped3A : memref<!tpu.dma_semaphore, #tpu.memory_space<semaphore_mem>>) src(%arg11 : memref<128x128xf32, #tpu.memory_space<vmem>>) dst(%dma_wait3A_53 : memref<128x128xf32, #tpu.memory_space<vmem_shared>>)
      tpu.yield
    }) : () -> ()
    %add3A_11 = arith.constant 384 : i32
    %add3A_12 = arith.addi %mul3A_4, %add3A_11 : i32
    "tpu.region"() ({
      %run_scoped3A = tpu.sem_alloc : memref<!tpu.dma_semaphore, #tpu.memory_space<semaphore_mem>>
      %dma_start3A_47 = arith.constant 0 : i32
      %dma_start3A_48 = tpu.memref_slice %arg16[%add3A_12, %dma_start3A_47] : memref<10240x128xf32, #tpu.memory_space<vmem_shared>> -> memref<128x128xf32, #tpu.memory_space<vmem_shared>>
      %dma_start3A_49 = arith.constant 0 : i32
      %dma_start3A_50 = tpu.memref_slice %arg16[%add3A_12, %dma_start3A_49] : memref<10240x128xf32, #tpu.memory_space<vmem_shared>> -> memref<128x128xf32, #tpu.memory_space<vmem_shared>>
      tpu.enqueue_dma source(%arg11 : memref<128x128xf32, #tpu.memory_space<vmem>>) target(%dma_start3A_50 : memref<128x128xf32, #tpu.memory_space<vmem_shared>>) target_semaphore(%run_scoped3A : memref<!tpu.dma_semaphore, #tpu.memory_space<semaphore_mem>>)
      %dma_wait3A = arith.constant 0 : i32
      %dma_wait3A_51 = tpu.memref_slice %arg16[%add3A_12, %dma_wait3A] : memref<10240x128xf32, #tpu.memory_space<vmem_shared>> -> memref<128x128xf32, #tpu.memory_space<vmem_shared>>
      %dma_wait3A_52 = arith.constant 0 : i32
      %dma_wait3A_53 = tpu.memref_slice %arg16[%add3A_12, %dma_wait3A_52] : memref<10240x128xf32, #tpu.memory_space<vmem_shared>> -> memref<128x128xf32, #tpu.memory_space<vmem_shared>>
      tpu.wait_dma2 semaphore(%run_scoped3A : memref<!tpu.dma_semaphore, #tpu.memory_space<semaphore_mem>>) src(%arg11 : memref<128x128xf32, #tpu.memory_space<vmem>>) dst(%dma_wait3A_53 : memref<128x128xf32, #tpu.memory_space<vmem_shared>>)
      tpu.yield
    }) : () -> ()
    %add3A_13 = arith.constant 512 : i32
    %add3A_14 = arith.addi %mul3A_4, %add3A_13 : i32
    "tpu.region"() ({
      %run_scoped3A = tpu.sem_alloc : memref<!tpu.dma_semaphore, #tpu.memory_space<semaphore_mem>>
      %dma_start3A_47 = arith.constant 0 : i32
      %dma_start3A_48 = tpu.memref_slice %arg16[%add3A_14, %dma_start3A_47] : memref<10240x128xf32, #tpu.memory_space<vmem_shared>> -> memref<128x128xf32, #tpu.memory_space<vmem_shared>>
      %dma_start3A_49 = arith.constant 0 : i32
      %dma_start3A_50 = tpu.memref_slice %arg16[%add3A_14, %dma_start3A_49] : memref<10240x128xf32, #tpu.memory_space<vmem_shared>> -> memref<128x128xf32, #tpu.memory_space<vmem_shared>>
      tpu.enqueue_dma source(%arg11 : memref<128x128xf32, #tpu.memory_space<vmem>>) target(%dma_start3A_50 : memref<128x128xf32, #tpu.memory_space<vmem_shared>>) target_semaphore(%run_scoped3A : memref<!tpu.dma_semaphore, #tpu.memory_space<semaphore_mem>>)
      %dma_wait3A = arith.constant 0 : i32
      %dma_wait3A_51 = tpu.memref_slice %arg16[%add3A_14, %dma_wait3A] : memref<10240x128xf32, #tpu.memory_space<vmem_shared>> -> memref<128x128xf32, #tpu.memory_space<vmem_shared>>
      %dma_wait3A_52 = arith.constant 0 : i32
      %dma_wait3A_53 = tpu.memref_slice %arg16[%add3A_14, %dma_wait3A_52] : memref<10240x128xf32, #tpu.memory_space<vmem_shared>> -> memref<128x128xf32, #tpu.memory_space<vmem_shared>>
      tpu.wait_dma2 semaphore(%run_scoped3A : memref<!tpu.dma_semaphore, #tpu.memory_space<semaphore_mem>>) src(%arg11 : memref<128x128xf32, #tpu.memory_space<vmem>>) dst(%dma_wait3A_53 : memref<128x128xf32, #tpu.memory_space<vmem_shared>>)
      tpu.yield
    }) : () -> ()
    %barrier3A = arith.constant 0 : index
    tpu.barrier barrier_id(%barrier3A)
    "tpu.region"() ({
      %run_scoped3A = tpu.sem_alloc : memref<!tpu.dma_semaphore, #tpu.memory_space<semaphore_mem>>
      %dma_start3A_47 = tpu.memref_slice %arg4[%multiple_of3A] : memref<655360xi32, #tpu.memory_space<hbm>> -> memref<2048xi32, #tpu.memory_space<hbm>>
      %dma_start3A_48 = tpu.memref_slice %arg4[%multiple_of3A] : memref<655360xi32, #tpu.memory_space<hbm>> -> memref<2048xi32, #tpu.memory_space<hbm>>
      tpu.enqueue_dma source(%dma_start3A_48 : memref<2048xi32, #tpu.memory_space<hbm>>) target(%arg7 : memref<2048xi32, #tpu.memory_space<vmem>>) target_semaphore(%run_scoped3A : memref<!tpu.dma_semaphore, #tpu.memory_space<semaphore_mem>>)
      %dma_wait3A = tpu.memref_slice %arg4[%multiple_of3A] : memref<655360xi32, #tpu.memory_space<hbm>> -> memref<2048xi32, #tpu.memory_space<hbm>>
      %dma_wait3A_49 = tpu.memref_slice %arg4[%multiple_of3A] : memref<655360xi32, #tpu.memory_space<hbm>> -> memref<2048xi32, #tpu.memory_space<hbm>>
      tpu.wait_dma2 semaphore(%run_scoped3A : memref<!tpu.dma_semaphore, #tpu.memory_space<semaphore_mem>>) src(%dma_wait3A_49 : memref<2048xi32, #tpu.memory_space<hbm>>) dst(%arg7 : memref<2048xi32, #tpu.memory_space<vmem>>)
      tpu.yield
    }) : () -> ()
    "tpu.region"() ({
      %run_scoped3A = tpu.sem_alloc : memref<!tpu.dma_semaphore, #tpu.memory_space<semaphore_mem>>
      %dma_start3A_47 = tpu.memref_slice %arg3[%multiple_of3A] : memref<655360xi32, #tpu.memory_space<hbm>> -> memref<2048xi32, #tpu.memory_space<hbm>>
      %dma_start3A_48 = tpu.memref_slice %arg3[%multiple_of3A] : memref<655360xi32, #tpu.memory_space<hbm>> -> memref<2048xi32, #tpu.memory_space<hbm>>
      tpu.enqueue_dma source(%dma_start3A_48 : memref<2048xi32, #tpu.memory_space<hbm>>) target(%arg9 : memref<2048xi32, #tpu.memory_space<vmem>>) target_semaphore(%run_scoped3A : memref<!tpu.dma_semaphore, #tpu.memory_space<semaphore_mem>>)
      %dma_wait3A = tpu.memref_slice %arg3[%multiple_of3A] : memref<655360xi32, #tpu.memory_space<hbm>> -> memref<2048xi32, #tpu.memory_space<hbm>>
      %dma_wait3A_49 = tpu.memref_slice %arg3[%multiple_of3A] : memref<655360xi32, #tpu.memory_space<hbm>> -> memref<2048xi32, #tpu.memory_space<hbm>>
      tpu.wait_dma2 semaphore(%run_scoped3A : memref<!tpu.dma_semaphore, #tpu.memory_space<semaphore_mem>>) src(%dma_wait3A_49 : memref<2048xi32, #tpu.memory_space<hbm>>) dst(%arg9 : memref<2048xi32, #tpu.memory_space<vmem>>)
      tpu.yield
    }) : () -> ()
    %add3A_15 = arith.constant 2048 : i32
    %add3A_16 = arith.addi %multiple_of3A, %add3A_15 : i32
    %multiple_of3A_17 = tpu.assume_multiple %add3A_16, 8 : i32
    %dma_start3A = tpu.memref_slice %arg4[%multiple_of3A_17] : memref<655360xi32, #tpu.memory_space<hbm>> -> memref<2048xi32, #tpu.memory_space<hbm>>
    %dma_start3A_18 = tpu.memref_slice %arg4[%multiple_of3A_17] : memref<655360xi32, #tpu.memory_space<hbm>> -> memref<2048xi32, #tpu.memory_space<hbm>>
    tpu.enqueue_dma source(%dma_start3A_18 : memref<2048xi32, #tpu.memory_space<hbm>>) target(%arg8 : memref<2048xi32, #tpu.memory_space<vmem>>) target_semaphore(%arg15 : memref<!tpu.dma_semaphore, #tpu.memory_space<semaphore_mem>>)
    %dma_start3A_19 = tpu.memref_slice %arg3[%multiple_of3A_17] : memref<655360xi32, #tpu.memory_space<hbm>> -> memref<2048xi32, #tpu.memory_space<hbm>>
    %dma_start3A_20 = tpu.memref_slice %arg3[%multiple_of3A_17] : memref<655360xi32, #tpu.memory_space<hbm>> -> memref<2048xi32, #tpu.memory_space<hbm>>
    tpu.enqueue_dma source(%dma_start3A_20 : memref<2048xi32, #tpu.memory_space<hbm>>) target(%arg10 : memref<2048xi32, #tpu.memory_space<vmem>>) target_semaphore(%arg15 : memref<!tpu.dma_semaphore, #tpu.memory_space<semaphore_mem>>)
    %dma_start3A_21 = arith.constant 0 : i32
    %dma_start3A_22 = tpu.memref_slice %arg7[%dma_start3A_21] : memref<2048xi32, #tpu.memory_space<vmem>> -> memref<128xi32, #tpu.memory_space<vmem>>
    %dma_start3A_23 = arith.constant 0 : i32
    %dma_start3A_24 = arith.constant 0 : i32
    %dma_start3A_25 = tpu.memref_slice %arg2[%dma_start3A_23, %dma_start3A_24] : memref<20000x128xf32, #tpu.memory_space<hbm>> -> memref<20000x128xf32, #tpu.memory_space<hbm>>
    tpu.enqueue_indirect_dma source(%dma_start3A_25 : memref<20000x128xf32, #tpu.memory_space<hbm>>) target(%arg11 : memref<128x128xf32, #tpu.memory_space<vmem>>) offsets(%dma_start3A_22 : memref<128xi32, #tpu.memory_space<vmem>>) semaphore(%arg13 : memref<!tpu.dma_semaphore, #tpu.memory_space<semaphore_mem>>)
    %dma_start3A_26 = arith.constant 128 : i32
    %dma_start3A_27 = tpu.memref_slice %arg7[%dma_start3A_26] : memref<2048xi32, #tpu.memory_space<vmem>> -> memref<128xi32, #tpu.memory_space<vmem>>
    %dma_start3A_28 = arith.constant 0 : i32
    %dma_start3A_29 = arith.constant 0 : i32
    %dma_start3A_30 = tpu.memref_slice %arg2[%dma_start3A_28, %dma_start3A_29] : memref<20000x128xf32, #tpu.memory_space<hbm>> -> memref<20000x128xf32, #tpu.memory_space<hbm>>
    tpu.enqueue_indirect_dma source(%dma_start3A_30 : memref<20000x128xf32, #tpu.memory_space<hbm>>) target(%arg12 : memref<128x128xf32, #tpu.memory_space<vmem>>) offsets(%dma_start3A_27 : memref<128xi32, #tpu.memory_space<vmem>>) semaphore(%arg14 : memref<!tpu.dma_semaphore, #tpu.memory_space<semaphore_mem>>)
    %scan3A = arith.constant 0 : i32
    %scan3A_31 = arith.constant 0 : i32
    %scan3A_32 = arith.constant 5 : i32
    %scan3A_33 = arith.addi %scan3A_31, %scan3A_32 : i32
    %scan3A_34 = arith.constant 1 : i32
    scf.for %scan3A_47 = %scan3A_31 to %scan3A_33 step %scan3A_34  : i32 {
      %mul3A_48 = arith.constant 2 : i32
      %mul3A_49 = arith.muli %mul3A_48, %scan3A_47 : i32
      %add3A_50 = arith.constant 0 : i32
      %add3A_51 = arith.addi %mul3A_49, %add3A_50 : i32
      %scan3A_52 = arith.constant 0 : i32
      %scan3A_53 = arith.constant 0 : i32
      %scan3A_54 = arith.constant 7 : i32
      %scan3A_55 = arith.addi %scan3A_53, %scan3A_54 : i32
      %scan3A_56 = arith.constant 1 : i32
      scf.for %scan3A_107 = %scan3A_53 to %scan3A_55 step %scan3A_56  : i32 {
        %mul3A_108 = arith.constant 2 : i32
        %mul3A_109 = arith.muli %mul3A_108, %scan3A_107 : i32
        %add3A_110 = arith.constant 0 : i32
        %add3A_111 = arith.addi %mul3A_109, %add3A_110 : i32
        tpu.wait_dma2 semaphore(%arg13 : memref<!tpu.dma_semaphore, #tpu.memory_space<semaphore_mem>>) src(%arg5 : memref<128x128xf32, #tpu.memory_space<hbm>>) dst(%arg11 : memref<128x128xf32, #tpu.memory_space<vmem>>)
        %mul3A_112 = arith.constant 128 : i32
        %mul3A_113 = arith.muli %add3A_111, %mul3A_112 : i32
        "tpu.region"() ({
          %run_scoped3A = tpu.sem_alloc : memref<!tpu.dma_semaphore, #tpu.memory_space<semaphore_mem>>
          %dma_start3A_136 = tpu.memref_slice %arg9[%mul3A_113] : memref<2048xi32, #tpu.memory_space<vmem>> -> memref<128xi32, #tpu.memory_space<vmem>>
          %dma_start3A_137 = arith.constant 0 : i32
          %dma_start3A_138 = arith.constant 0 : i32
          %dma_start3A_139 = tpu.memref_slice %arg16[%dma_start3A_137, %dma_start3A_138] : memref<10240x128xf32, #tpu.memory_space<vmem_shared>> -> memref<10240x128xf32, #tpu.memory_space<vmem_shared>>
          tpu.enqueue_indirect_dma source(%arg11 : memref<128x128xf32, #tpu.memory_space<vmem>>) target(%dma_start3A_139 : memref<10240x128xf32, #tpu.memory_space<vmem_shared>>) offsets(%dma_start3A_136 : memref<128xi32, #tpu.memory_space<vmem>>) semaphore(%run_scoped3A : memref<!tpu.dma_semaphore, #tpu.memory_space<semaphore_mem>>) {add = true}
          %dma_wait3A = tpu.memref_slice %arg9[%mul3A_113] : memref<2048xi32, #tpu.memory_space<vmem>> -> memref<128xi32, #tpu.memory_space<vmem>>
          %dma_wait3A_140 = arith.constant 0 : i32
          %dma_wait3A_141 = arith.constant 0 : i32
          %dma_wait3A_142 = tpu.memref_slice %arg16[%dma_wait3A_140, %dma_wait3A_141] : memref<10240x128xf32, #tpu.memory_space<vmem_shared>> -> memref<10240x128xf32, #tpu.memory_space<vmem_shared>>
          tpu.wait_indirect_dma semaphore(%run_scoped3A : memref<!tpu.dma_semaphore, #tpu.memory_space<semaphore_mem>>) src(%arg11 : memref<128x128xf32, #tpu.memory_space<vmem>>) dst(%dma_wait3A_142 : memref<10240x128xf32, #tpu.memory_space<vmem_shared>>)
          tpu.yield
        }) : () -> ()
        %add3A_114 = arith.constant 2 : i32
        %add3A_115 = arith.addi %add3A_111, %add3A_114 : i32
        %mul3A_116 = arith.constant 128 : i32
        %mul3A_117 = arith.muli %add3A_115, %mul3A_116 : i32
        %dma_start3A_118 = tpu.memref_slice %arg7[%mul3A_117] : memref<2048xi32, #tpu.memory_space<vmem>> -> memref<128xi32, #tpu.memory_space<vmem>>
        %dma_start3A_119 = arith.constant 0 : i32
        %dma_start3A_120 = arith.constant 0 : i32
        %dma_start3A_121 = tpu.memref_slice %arg2[%dma_start3A_119, %dma_start3A_120] : memref<20000x128xf32, #tpu.memory_space<hbm>> -> memref<20000x128xf32, #tpu.memory_space<hbm>>
        tpu.enqueue_indirect_dma source(%dma_start3A_121 : memref<20000x128xf32, #tpu.memory_space<hbm>>) target(%arg11 : memref<128x128xf32, #tpu.memory_space<vmem>>) offsets(%dma_start3A_118 : memref<128xi32, #tpu.memory_space<vmem>>) semaphore(%arg13 : memref<!tpu.dma_semaphore, #tpu.memory_space<semaphore_mem>>)
        %mul3A_122 = arith.constant 2 : i32
        %mul3A_123 = arith.muli %mul3A_122, %scan3A_107 : i32
        %add3A_124 = arith.constant 1 : i32
        %add3A_125 = arith.addi %mul3A_123, %add3A_124 : i32
        tpu.wait_dma2 semaphore(%arg14 : memref<!tpu.dma_semaphore, #tpu.memory_space<semaphore_mem>>) src(%arg5 : memref<128x128xf32, #tpu.memory_space<hbm>>) dst(%arg12 : memref<128x128xf32, #tpu.memory_space<vmem>>)
        %mul3A_126 = arith.constant 128 : i32
        %mul3A_127 = arith.muli %add3A_125, %mul3A_126 : i32
        "tpu.region"() ({
          %run_scoped3A = tpu.sem_alloc : memref<!tpu.dma_semaphore, #tpu.memory_space<semaphore_mem>>
          %dma_start3A_136 = tpu.memref_slice %arg9[%mul3A_127] : memref<2048xi32, #tpu.memory_space<vmem>> -> memref<128xi32, #tpu.memory_space<vmem>>
          %dma_start3A_137 = arith.constant 0 : i32
          %dma_start3A_138 = arith.constant 0 : i32
          %dma_start3A_139 = tpu.memref_slice %arg16[%dma_start3A_137, %dma_start3A_138] : memref<10240x128xf32, #tpu.memory_space<vmem_shared>> -> memref<10240x128xf32, #tpu.memory_space<vmem_shared>>
          tpu.enqueue_indirect_dma source(%arg12 : memref<128x128xf32, #tpu.memory_space<vmem>>) target(%dma_start3A_139 : memref<10240x128xf32, #tpu.memory_space<vmem_shared>>) offsets(%dma_start3A_136 : memref<128xi32, #tpu.memory_space<vmem>>) semaphore(%run_scoped3A : memref<!tpu.dma_semaphore, #tpu.memory_space<semaphore_mem>>) {add = true}
          %dma_wait3A = tpu.memref_slice %arg9[%mul3A_127] : memref<2048xi32, #tpu.memory_space<vmem>> -> memref<128xi32, #tpu.memory_space<vmem>>
          %dma_wait3A_140 = arith.constant 0 : i32
          %dma_wait3A_141 = arith.constant 0 : i32
          %dma_wait3A_142 = tpu.memref_slice %arg16[%dma_wait3A_140, %dma_wait3A_141] : memref<10240x128xf32, #tpu.memory_space<vmem_shared>> -> memref<10240x128xf32, #tpu.memory_space<vmem_shared>>
          tpu.wait_indirect_dma semaphore(%run_scoped3A : memref<!tpu.dma_semaphore, #tpu.memory_space<semaphore_mem>>) src(%arg12 : memref<128x128xf32, #tpu.memory_space<vmem>>) dst(%dma_wait3A_142 : memref<10240x128xf32, #tpu.memory_space<vmem_shared>>)
          tpu.yield
        }) : () -> ()
        %add3A_128 = arith.constant 2 : i32
        %add3A_129 = arith.addi %add3A_125, %add3A_128 : i32
        %mul3A_130 = arith.constant 128 : i32
        %mul3A_131 = arith.muli %add3A_129, %mul3A_130 : i32
        %dma_start3A_132 = tpu.memref_slice %arg7[%mul3A_131] : memref<2048xi32, #tpu.memory_space<vmem>> -> memref<128xi32, #tpu.memory_space<vmem>>
        %dma_start3A_133 = arith.constant 0 : i32
        %dma_start3A_134 = arith.constant 0 : i32
        %dma_start3A_135 = tpu.memref_slice %arg2[%dma_start3A_133, %dma_start3A_134] : memref<20000x128xf32, #tpu.memory_space<hbm>> -> memref<20000x128xf32, #tpu.memory_space<hbm>>
        tpu.enqueue_indirect_dma source(%dma_start3A_135 : memref<20000x128xf32, #tpu.memory_space<hbm>>) target(%arg12 : memref<128x128xf32, #tpu.memory_space<vmem>>) offsets(%dma_start3A_132 : memref<128xi32, #tpu.memory_space<vmem>>) semaphore(%arg14 : memref<!tpu.dma_semaphore, #tpu.memory_space<semaphore_mem>>)
      }
      %scan3A_57 = arith.constant 7 : i32
      tpu.wait_dma2 semaphore(%arg13 : memref<!tpu.dma_semaphore, #tpu.memory_space<semaphore_mem>>) src(%arg5 : memref<128x128xf32, #tpu.memory_space<hbm>>) dst(%arg11 : memref<128x128xf32, #tpu.memory_space<vmem>>)
      "tpu.region"() ({
        %run_scoped3A = tpu.sem_alloc : memref<!tpu.dma_semaphore, #tpu.memory_space<semaphore_mem>>
        %dma_start3A_107 = arith.constant 1792 : i32
        %dma_start3A_108 = tpu.memref_slice %arg9[%dma_start3A_107] : memref<2048xi32, #tpu.memory_space<vmem>> -> memref<128xi32, #tpu.memory_space<vmem>>
        %dma_start3A_109 = arith.constant 0 : i32
        %dma_start3A_110 = arith.constant 0 : i32
        %dma_start3A_111 = tpu.memref_slice %arg16[%dma_start3A_109, %dma_start3A_110] : memref<10240x128xf32, #tpu.memory_space<vmem_shared>> -> memref<10240x128xf32, #tpu.memory_space<vmem_shared>>
        tpu.enqueue_indirect_dma source(%arg11 : memref<128x128xf32, #tpu.memory_space<vmem>>) target(%dma_start3A_111 : memref<10240x128xf32, #tpu.memory_space<vmem_shared>>) offsets(%dma_start3A_108 : memref<128xi32, #tpu.memory_space<vmem>>) semaphore(%run_scoped3A : memref<!tpu.dma_semaphore, #tpu.memory_space<semaphore_mem>>) {add = true}
        %dma_wait3A = arith.constant 1792 : i32
        %dma_wait3A_112 = tpu.memref_slice %arg9[%dma_wait3A] : memref<2048xi32, #tpu.memory_space<vmem>> -> memref<128xi32, #tpu.memory_space<vmem>>
        %dma_wait3A_113 = arith.constant 0 : i32
        %dma_wait3A_114 = arith.constant 0 : i32
        %dma_wait3A_115 = tpu.memref_slice %arg16[%dma_wait3A_113, %dma_wait3A_114] : memref<10240x128xf32, #tpu.memory_space<vmem_shared>> -> memref<10240x128xf32, #tpu.memory_space<vmem_shared>>
        tpu.wait_indirect_dma semaphore(%run_scoped3A : memref<!tpu.dma_semaphore, #tpu.memory_space<semaphore_mem>>) src(%arg11 : memref<128x128xf32, #tpu.memory_space<vmem>>) dst(%dma_wait3A_115 : memref<10240x128xf32, #tpu.memory_space<vmem_shared>>)
        tpu.yield
      }) : () -> ()
      %add3A_58 = arith.constant 1 : i32
      %add3A_59 = arith.addi %add3A_51, %add3A_58 : i32
      %lt3A = arith.constant 10 : i32
      %lt3A_60 = arith.cmpi slt, %add3A_59, %lt3A : i32
      %convert_element_type3A = arith.extui %lt3A_60 : i1 to i32
      %cond3A = arith.constant 0 : i32
      %cond3A_61 = arith.cmpi ne, %convert_element_type3A, %cond3A : i32
      scf.if %cond3A_61 {
        %dma_wait3A = tpu.memref_slice %arg4[%multiple_of3A] : memref<655360xi32, #tpu.memory_space<hbm>> -> memref<2048xi32, #tpu.memory_space<hbm>>
        %dma_wait3A_107 = tpu.memref_slice %arg4[%multiple_of3A] : memref<655360xi32, #tpu.memory_space<hbm>> -> memref<2048xi32, #tpu.memory_space<hbm>>
        tpu.wait_dma2 semaphore(%arg15 : memref<!tpu.dma_semaphore, #tpu.memory_space<semaphore_mem>>) src(%dma_wait3A_107 : memref<2048xi32, #tpu.memory_space<hbm>>) dst(%arg8 : memref<2048xi32, #tpu.memory_space<vmem>>)
        %dma_wait3A_108 = tpu.memref_slice %arg4[%multiple_of3A] : memref<655360xi32, #tpu.memory_space<hbm>> -> memref<2048xi32, #tpu.memory_space<hbm>>
        %dma_wait3A_109 = tpu.memref_slice %arg4[%multiple_of3A] : memref<655360xi32, #tpu.memory_space<hbm>> -> memref<2048xi32, #tpu.memory_space<hbm>>
        tpu.wait_dma2 semaphore(%arg15 : memref<!tpu.dma_semaphore, #tpu.memory_space<semaphore_mem>>) src(%dma_wait3A_109 : memref<2048xi32, #tpu.memory_space<hbm>>) dst(%arg8 : memref<2048xi32, #tpu.memory_space<vmem>>)
        %dma_start3A_110 = arith.constant 0 : i32
        %dma_start3A_111 = tpu.memref_slice %arg8[%dma_start3A_110] : memref<2048xi32, #tpu.memory_space<vmem>> -> memref<128xi32, #tpu.memory_space<vmem>>
        %dma_start3A_112 = arith.constant 0 : i32
        %dma_start3A_113 = arith.constant 0 : i32
        %dma_start3A_114 = tpu.memref_slice %arg2[%dma_start3A_112, %dma_start3A_113] : memref<20000x128xf32, #tpu.memory_space<hbm>> -> memref<20000x128xf32, #tpu.memory_space<hbm>>
        tpu.enqueue_indirect_dma source(%dma_start3A_114 : memref<20000x128xf32, #tpu.memory_space<hbm>>) target(%arg11 : memref<128x128xf32, #tpu.memory_space<vmem>>) offsets(%dma_start3A_111 : memref<128xi32, #tpu.memory_space<vmem>>) semaphore(%arg13 : memref<!tpu.dma_semaphore, #tpu.memory_space<semaphore_mem>>)
      } else {
      }
      tpu.wait_dma2 semaphore(%arg14 : memref<!tpu.dma_semaphore, #tpu.memory_space<semaphore_mem>>) src(%arg5 : memref<128x128xf32, #tpu.memory_space<hbm>>) dst(%arg12 : memref<128x128xf32, #tpu.memory_space<vmem>>)
      "tpu.region"() ({
        %run_scoped3A = tpu.sem_alloc : memref<!tpu.dma_semaphore, #tpu.memory_space<semaphore_mem>>
        %dma_start3A_107 = arith.constant 1920 : i32
        %dma_start3A_108 = tpu.memref_slice %arg9[%dma_start3A_107] : memref<2048xi32, #tpu.memory_space<vmem>> -> memref<128xi32, #tpu.memory_space<vmem>>
        %dma_start3A_109 = arith.constant 0 : i32
        %dma_start3A_110 = arith.constant 0 : i32
        %dma_start3A_111 = tpu.memref_slice %arg16[%dma_start3A_109, %dma_start3A_110] : memref<10240x128xf32, #tpu.memory_space<vmem_shared>> -> memref<10240x128xf32, #tpu.memory_space<vmem_shared>>
        tpu.enqueue_indirect_dma source(%arg12 : memref<128x128xf32, #tpu.memory_space<vmem>>) target(%dma_start3A_111 : memref<10240x128xf32, #tpu.memory_space<vmem_shared>>) offsets(%dma_start3A_108 : memref<128xi32, #tpu.memory_space<vmem>>) semaphore(%run_scoped3A : memref<!tpu.dma_semaphore, #tpu.memory_space<semaphore_mem>>) {add = true}
        %dma_wait3A = arith.constant 1920 : i32
        %dma_wait3A_112 = tpu.memref_slice %arg9[%dma_wait3A] : memref<2048xi32, #tpu.memory_space<vmem>> -> memref<128xi32, #tpu.memory_space<vmem>>
        %dma_wait3A_113 = arith.constant 0 : i32
        %dma_wait3A_114 = arith.constant 0 : i32
        %dma_wait3A_115 = tpu.memref_slice %arg16[%dma_wait3A_113, %dma_wait3A_114] : memref<10240x128xf32, #tpu.memory_space<vmem_shared>> -> memref<10240x128xf32, #tpu.memory_space<vmem_shared>>
        tpu.wait_indirect_dma semaphore(%run_scoped3A : memref<!tpu.dma_semaphore, #tpu.memory_space<semaphore_mem>>) src(%arg12 : memref<128x128xf32, #tpu.memory_space<vmem>>) dst(%dma_wait3A_115 : memref<10240x128xf32, #tpu.memory_space<vmem_shared>>)
        tpu.yield
      }) : () -> ()
      %add3A_62 = arith.constant 1 : i32
      %add3A_63 = arith.addi %add3A_51, %add3A_62 : i32
      %lt3A_64 = arith.constant 10 : i32
      %lt3A_65 = arith.cmpi slt, %add3A_63, %lt3A_64 : i32
      %convert_element_type3A_66 = arith.extui %lt3A_65 : i1 to i32
      %cond3A_67 = arith.constant 0 : i32
      %cond3A_68 = arith.cmpi ne, %convert_element_type3A_66, %cond3A_67 : i32
      scf.if %cond3A_68 {
        %dma_start3A_107 = arith.constant 128 : i32
        %dma_start3A_108 = tpu.memref_slice %arg8[%dma_start3A_107] : memref<2048xi32, #tpu.memory_space<vmem>> -> memref<128xi32, #tpu.memory_space<vmem>>
        %dma_start3A_109 = arith.constant 0 : i32
        %dma_start3A_110 = arith.constant 0 : i32
        %dma_start3A_111 = tpu.memref_slice %arg2[%dma_start3A_109, %dma_start3A_110] : memref<20000x128xf32, #tpu.memory_space<hbm>> -> memref<20000x128xf32, #tpu.memory_space<hbm>>
        tpu.enqueue_indirect_dma source(%dma_start3A_111 : memref<20000x128xf32, #tpu.memory_space<hbm>>) target(%arg12 : memref<128x128xf32, #tpu.memory_space<vmem>>) offsets(%dma_start3A_108 : memref<128xi32, #tpu.memory_space<vmem>>) semaphore(%arg14 : memref<!tpu.dma_semaphore, #tpu.memory_space<semaphore_mem>>)
      } else {
      }
      %add3A_69 = arith.constant 2 : i32
      %add3A_70 = arith.addi %add3A_51, %add3A_69 : i32
      %lt3A_71 = arith.constant 10 : i32
      %lt3A_72 = arith.cmpi slt, %add3A_70, %lt3A_71 : i32
      %convert_element_type3A_73 = arith.extui %lt3A_72 : i1 to i32
      %cond3A_74 = arith.constant 0 : i32
      %cond3A_75 = arith.cmpi ne, %convert_element_type3A_73, %cond3A_74 : i32
      scf.if %cond3A_75 {
        %add3A_107 = arith.constant 2 : i32
        %add3A_108 = arith.addi %add3A_51, %add3A_107 : i32
        %mul3A_109 = arith.constant 2048 : i32
        %mul3A_110 = arith.muli %add3A_108, %mul3A_109 : i32
        %add3A_111 = arith.addi %multiple_of3A, %mul3A_110 : i32
        %multiple_of3A_112 = tpu.assume_multiple %add3A_111, 8 : i32
        %dma_start3A_113 = tpu.memref_slice %arg4[%multiple_of3A_112] : memref<655360xi32, #tpu.memory_space<hbm>> -> memref<2048xi32, #tpu.memory_space<hbm>>
        %dma_start3A_114 = tpu.memref_slice %arg4[%multiple_of3A_112] : memref<655360xi32, #tpu.memory_space<hbm>> -> memref<2048xi32, #tpu.memory_space<hbm>>
        tpu.enqueue_dma source(%dma_start3A_114 : memref<2048xi32, #tpu.memory_space<hbm>>) target(%arg7 : memref<2048xi32, #tpu.memory_space<vmem>>) target_semaphore(%arg15 : memref<!tpu.dma_semaphore, #tpu.memory_space<semaphore_mem>>)
        %dma_start3A_115 = tpu.memref_slice %arg3[%multiple_of3A_112] : memref<655360xi32, #tpu.memory_space<hbm>> -> memref<2048xi32, #tpu.memory_space<hbm>>
        %dma_start3A_116 = tpu.memref_slice %arg3[%multiple_of3A_112] : memref<655360xi32, #tpu.memory_space<hbm>> -> memref<2048xi32, #tpu.memory_space<hbm>>
        tpu.enqueue_dma source(%dma_start3A_116 : memref<2048xi32, #tpu.memory_space<hbm>>) target(%arg9 : memref<2048xi32, #tpu.memory_space<vmem>>) target_semaphore(%arg15 : memref<!tpu.dma_semaphore, #tpu.memory_space<semaphore_mem>>)
      } else {
      }
      %mul3A_76 = arith.constant 2 : i32
      %mul3A_77 = arith.muli %mul3A_76, %scan3A_47 : i32
      %add3A_78 = arith.constant 1 : i32
      %add3A_79 = arith.addi %mul3A_77, %add3A_78 : i32
      %scan3A_80 = arith.constant 0 : i32
      %scan3A_81 = arith.constant 0 : i32
      %scan3A_82 = arith.constant 7 : i32
      %scan3A_83 = arith.addi %scan3A_81, %scan3A_82 : i32
      %scan3A_84 = arith.constant 1 : i32
      scf.for %scan3A_107 = %scan3A_81 to %scan3A_83 step %scan3A_84  : i32 {
        %mul3A_108 = arith.constant 2 : i32
        %mul3A_109 = arith.muli %mul3A_108, %scan3A_107 : i32
        %add3A_110 = arith.constant 0 : i32
        %add3A_111 = arith.addi %mul3A_109, %add3A_110 : i32
        tpu.wait_dma2 semaphore(%arg13 : memref<!tpu.dma_semaphore, #tpu.memory_space<semaphore_mem>>) src(%arg5 : memref<128x128xf32, #tpu.memory_space<hbm>>) dst(%arg11 : memref<128x128xf32, #tpu.memory_space<vmem>>)
        %mul3A_112 = arith.constant 128 : i32
        %mul3A_113 = arith.muli %add3A_111, %mul3A_112 : i32
        "tpu.region"() ({
          %run_scoped3A = tpu.sem_alloc : memref<!tpu.dma_semaphore, #tpu.memory_space<semaphore_mem>>
          %dma_start3A_136 = tpu.memref_slice %arg10[%mul3A_113] : memref<2048xi32, #tpu.memory_space<vmem>> -> memref<128xi32, #tpu.memory_space<vmem>>
          %dma_start3A_137 = arith.constant 0 : i32
          %dma_start3A_138 = arith.constant 0 : i32
          %dma_start3A_139 = tpu.memref_slice %arg16[%dma_start3A_137, %dma_start3A_138] : memref<10240x128xf32, #tpu.memory_space<vmem_shared>> -> memref<10240x128xf32, #tpu.memory_space<vmem_shared>>
          tpu.enqueue_indirect_dma source(%arg11 : memref<128x128xf32, #tpu.memory_space<vmem>>) target(%dma_start3A_139 : memref<10240x128xf32, #tpu.memory_space<vmem_shared>>) offsets(%dma_start3A_136 : memref<128xi32, #tpu.memory_space<vmem>>) semaphore(%run_scoped3A : memref<!tpu.dma_semaphore, #tpu.memory_space<semaphore_mem>>) {add = true}
          %dma_wait3A = tpu.memref_slice %arg10[%mul3A_113] : memref<2048xi32, #tpu.memory_space<vmem>> -> memref<128xi32, #tpu.memory_space<vmem>>
          %dma_wait3A_140 = arith.constant 0 : i32
          %dma_wait3A_141 = arith.constant 0 : i32
          %dma_wait3A_142 = tpu.memref_slice %arg16[%dma_wait3A_140, %dma_wait3A_141] : memref<10240x128xf32, #tpu.memory_space<vmem_shared>> -> memref<10240x128xf32, #tpu.memory_space<vmem_shared>>
          tpu.wait_indirect_dma semaphore(%run_scoped3A : memref<!tpu.dma_semaphore, #tpu.memory_space<semaphore_mem>>) src(%arg11 : memref<128x128xf32, #tpu.memory_space<vmem>>) dst(%dma_wait3A_142 : memref<10240x128xf32, #tpu.memory_space<vmem_shared>>)
          tpu.yield
        }) : () -> ()
        %add3A_114 = arith.constant 2 : i32
        %add3A_115 = arith.addi %add3A_111, %add3A_114 : i32
        %mul3A_116 = arith.constant 128 : i32
        %mul3A_117 = arith.muli %add3A_115, %mul3A_116 : i32
        %dma_start3A_118 = tpu.memref_slice %arg8[%mul3A_117] : memref<2048xi32, #tpu.memory_space<vmem>> -> memref<128xi32, #tpu.memory_space<vmem>>
        %dma_start3A_119 = arith.constant 0 : i32
        %dma_start3A_120 = arith.constant 0 : i32
        %dma_start3A_121 = tpu.memref_slice %arg2[%dma_start3A_119, %dma_start3A_120] : memref<20000x128xf32, #tpu.memory_space<hbm>> -> memref<20000x128xf32, #tpu.memory_space<hbm>>
        tpu.enqueue_indirect_dma source(%dma_start3A_121 : memref<20000x128xf32, #tpu.memory_space<hbm>>) target(%arg11 : memref<128x128xf32, #tpu.memory_space<vmem>>) offsets(%dma_start3A_118 : memref<128xi32, #tpu.memory_space<vmem>>) semaphore(%arg13 : memref<!tpu.dma_semaphore, #tpu.memory_space<semaphore_mem>>)
        %mul3A_122 = arith.constant 2 : i32
        %mul3A_123 = arith.muli %mul3A_122, %scan3A_107 : i32
        %add3A_124 = arith.constant 1 : i32
        %add3A_125 = arith.addi %mul3A_123, %add3A_124 : i32
        tpu.wait_dma2 semaphore(%arg14 : memref<!tpu.dma_semaphore, #tpu.memory_space<semaphore_mem>>) src(%arg5 : memref<128x128xf32, #tpu.memory_space<hbm>>) dst(%arg12 : memref<128x128xf32, #tpu.memory_space<vmem>>)
        %mul3A_126 = arith.constant 128 : i32
        %mul3A_127 = arith.muli %add3A_125, %mul3A_126 : i32
        "tpu.region"() ({
          %run_scoped3A = tpu.sem_alloc : memref<!tpu.dma_semaphore, #tpu.memory_space<semaphore_mem>>
          %dma_start3A_136 = tpu.memref_slice %arg10[%mul3A_127] : memref<2048xi32, #tpu.memory_space<vmem>> -> memref<128xi32, #tpu.memory_space<vmem>>
          %dma_start3A_137 = arith.constant 0 : i32
          %dma_start3A_138 = arith.constant 0 : i32
          %dma_start3A_139 = tpu.memref_slice %arg16[%dma_start3A_137, %dma_start3A_138] : memref<10240x128xf32, #tpu.memory_space<vmem_shared>> -> memref<10240x128xf32, #tpu.memory_space<vmem_shared>>
          tpu.enqueue_indirect_dma source(%arg12 : memref<128x128xf32, #tpu.memory_space<vmem>>) target(%dma_start3A_139 : memref<10240x128xf32, #tpu.memory_space<vmem_shared>>) offsets(%dma_start3A_136 : memref<128xi32, #tpu.memory_space<vmem>>) semaphore(%run_scoped3A : memref<!tpu.dma_semaphore, #tpu.memory_space<semaphore_mem>>) {add = true}
          %dma_wait3A = tpu.memref_slice %arg10[%mul3A_127] : memref<2048xi32, #tpu.memory_space<vmem>> -> memref<128xi32, #tpu.memory_space<vmem>>
          %dma_wait3A_140 = arith.constant 0 : i32
          %dma_wait3A_141 = arith.constant 0 : i32
          %dma_wait3A_142 = tpu.memref_slice %arg16[%dma_wait3A_140, %dma_wait3A_141] : memref<10240x128xf32, #tpu.memory_space<vmem_shared>> -> memref<10240x128xf32, #tpu.memory_space<vmem_shared>>
          tpu.wait_indirect_dma semaphore(%run_scoped3A : memref<!tpu.dma_semaphore, #tpu.memory_space<semaphore_mem>>) src(%arg12 : memref<128x128xf32, #tpu.memory_space<vmem>>) dst(%dma_wait3A_142 : memref<10240x128xf32, #tpu.memory_space<vmem_shared>>)
          tpu.yield
        }) : () -> ()
        %add3A_128 = arith.constant 2 : i32
        %add3A_129 = arith.addi %add3A_125, %add3A_128 : i32
        %mul3A_130 = arith.constant 128 : i32
        %mul3A_131 = arith.muli %add3A_129, %mul3A_130 : i32
        %dma_start3A_132 = tpu.memref_slice %arg8[%mul3A_131] : memref<2048xi32, #tpu.memory_space<vmem>> -> memref<128xi32, #tpu.memory_space<vmem>>
        %dma_start3A_133 = arith.constant 0 : i32
        %dma_start3A_134 = arith.constant 0 : i32
        %dma_start3A_135 = tpu.memref_slice %arg2[%dma_start3A_133, %dma_start3A_134] : memref<20000x128xf32, #tpu.memory_space<hbm>> -> memref<20000x128xf32, #tpu.memory_space<hbm>>
        tpu.enqueue_indirect_dma source(%dma_start3A_135 : memref<20000x128xf32, #tpu.memory_space<hbm>>) target(%arg12 : memref<128x128xf32, #tpu.memory_space<vmem>>) offsets(%dma_start3A_132 : memref<128xi32, #tpu.memory_space<vmem>>) semaphore(%arg14 : memref<!tpu.dma_semaphore, #tpu.memory_space<semaphore_mem>>)
      }
      %scan3A_85 = arith.constant 7 : i32
      tpu.wait_dma2 semaphore(%arg13 : memref<!tpu.dma_semaphore, #tpu.memory_space<semaphore_mem>>) src(%arg5 : memref<128x128xf32, #tpu.memory_space<hbm>>) dst(%arg11 : memref<128x128xf32, #tpu.memory_space<vmem>>)
      "tpu.region"() ({
        %run_scoped3A = tpu.sem_alloc : memref<!tpu.dma_semaphore, #tpu.memory_space<semaphore_mem>>
        %dma_start3A_107 = arith.constant 1792 : i32
        %dma_start3A_108 = tpu.memref_slice %arg10[%dma_start3A_107] : memref<2048xi32, #tpu.memory_space<vmem>> -> memref<128xi32, #tpu.memory_space<vmem>>
        %dma_start3A_109 = arith.constant 0 : i32
        %dma_start3A_110 = arith.constant 0 : i32
        %dma_start3A_111 = tpu.memref_slice %arg16[%dma_start3A_109, %dma_start3A_110] : memref<10240x128xf32, #tpu.memory_space<vmem_shared>> -> memref<10240x128xf32, #tpu.memory_space<vmem_shared>>
        tpu.enqueue_indirect_dma source(%arg11 : memref<128x128xf32, #tpu.memory_space<vmem>>) target(%dma_start3A_111 : memref<10240x128xf32, #tpu.memory_space<vmem_shared>>) offsets(%dma_start3A_108 : memref<128xi32, #tpu.memory_space<vmem>>) semaphore(%run_scoped3A : memref<!tpu.dma_semaphore, #tpu.memory_space<semaphore_mem>>) {add = true}
        %dma_wait3A = arith.constant 1792 : i32
        %dma_wait3A_112 = tpu.memref_slice %arg10[%dma_wait3A] : memref<2048xi32, #tpu.memory_space<vmem>> -> memref<128xi32, #tpu.memory_space<vmem>>
        %dma_wait3A_113 = arith.constant 0 : i32
        %dma_wait3A_114 = arith.constant 0 : i32
        %dma_wait3A_115 = tpu.memref_slice %arg16[%dma_wait3A_113, %dma_wait3A_114] : memref<10240x128xf32, #tpu.memory_space<vmem_shared>> -> memref<10240x128xf32, #tpu.memory_space<vmem_shared>>
        tpu.wait_indirect_dma semaphore(%run_scoped3A : memref<!tpu.dma_semaphore, #tpu.memory_space<semaphore_mem>>) src(%arg11 : memref<128x128xf32, #tpu.memory_space<vmem>>) dst(%dma_wait3A_115 : memref<10240x128xf32, #tpu.memory_space<vmem_shared>>)
        tpu.yield
      }) : () -> ()
      %add3A_86 = arith.constant 1 : i32
      %add3A_87 = arith.addi %add3A_79, %add3A_86 : i32
      %lt3A_88 = arith.constant 10 : i32
      %lt3A_89 = arith.cmpi slt, %add3A_87, %lt3A_88 : i32
      %convert_element_type3A_90 = arith.extui %lt3A_89 : i1 to i32
      %cond3A_91 = arith.constant 0 : i32
      %cond3A_92 = arith.cmpi ne, %convert_element_type3A_90, %cond3A_91 : i32
      scf.if %cond3A_92 {
        %dma_wait3A = tpu.memref_slice %arg4[%multiple_of3A] : memref<655360xi32, #tpu.memory_space<hbm>> -> memref<2048xi32, #tpu.memory_space<hbm>>
        %dma_wait3A_107 = tpu.memref_slice %arg4[%multiple_of3A] : memref<655360xi32, #tpu.memory_space<hbm>> -> memref<2048xi32, #tpu.memory_space<hbm>>
        tpu.wait_dma2 semaphore(%arg15 : memref<!tpu.dma_semaphore, #tpu.memory_space<semaphore_mem>>) src(%dma_wait3A_107 : memref<2048xi32, #tpu.memory_space<hbm>>) dst(%arg7 : memref<2048xi32, #tpu.memory_space<vmem>>)
        %dma_wait3A_108 = tpu.memref_slice %arg4[%multiple_of3A] : memref<655360xi32, #tpu.memory_space<hbm>> -> memref<2048xi32, #tpu.memory_space<hbm>>
        %dma_wait3A_109 = tpu.memref_slice %arg4[%multiple_of3A] : memref<655360xi32, #tpu.memory_space<hbm>> -> memref<2048xi32, #tpu.memory_space<hbm>>
        tpu.wait_dma2 semaphore(%arg15 : memref<!tpu.dma_semaphore, #tpu.memory_space<semaphore_mem>>) src(%dma_wait3A_109 : memref<2048xi32, #tpu.memory_space<hbm>>) dst(%arg7 : memref<2048xi32, #tpu.memory_space<vmem>>)
        %dma_start3A_110 = arith.constant 0 : i32
        %dma_start3A_111 = tpu.memref_slice %arg7[%dma_start3A_110] : memref<2048xi32, #tpu.memory_space<vmem>> -> memref<128xi32, #tpu.memory_space<vmem>>
        %dma_start3A_112 = arith.constant 0 : i32
        %dma_start3A_113 = arith.constant 0 : i32
        %dma_start3A_114 = tpu.memref_slice %arg2[%dma_start3A_112, %dma_start3A_113] : memref<20000x128xf32, #tpu.memory_space<hbm>> -> memref<20000x128xf32, #tpu.memory_space<hbm>>
        tpu.enqueue_indirect_dma source(%dma_start3A_114 : memref<20000x128xf32, #tpu.memory_space<hbm>>) target(%arg11 : memref<128x128xf32, #tpu.memory_space<vmem>>) offsets(%dma_start3A_111 : memref<128xi32, #tpu.memory_space<vmem>>) semaphore(%arg13 : memref<!tpu.dma_semaphore, #tpu.memory_space<semaphore_mem>>)
      } else {
      }
      tpu.wait_dma2 semaphore(%arg14 : memref<!tpu.dma_semaphore, #tpu.memory_space<semaphore_mem>>) src(%arg5 : memref<128x128xf32, #tpu.memory_space<hbm>>) dst(%arg12 : memref<128x128xf32, #tpu.memory_space<vmem>>)
      "tpu.region"() ({
        %run_scoped3A = tpu.sem_alloc : memref<!tpu.dma_semaphore, #tpu.memory_space<semaphore_mem>>
        %dma_start3A_107 = arith.constant 1920 : i32
        %dma_start3A_108 = tpu.memref_slice %arg10[%dma_start3A_107] : memref<2048xi32, #tpu.memory_space<vmem>> -> memref<128xi32, #tpu.memory_space<vmem>>
        %dma_start3A_109 = arith.constant 0 : i32
        %dma_start3A_110 = arith.constant 0 : i32
        %dma_start3A_111 = tpu.memref_slice %arg16[%dma_start3A_109, %dma_start3A_110] : memref<10240x128xf32, #tpu.memory_space<vmem_shared>> -> memref<10240x128xf32, #tpu.memory_space<vmem_shared>>
        tpu.enqueue_indirect_dma source(%arg12 : memref<128x128xf32, #tpu.memory_space<vmem>>) target(%dma_start3A_111 : memref<10240x128xf32, #tpu.memory_space<vmem_shared>>) offsets(%dma_start3A_108 : memref<128xi32, #tpu.memory_space<vmem>>) semaphore(%run_scoped3A : memref<!tpu.dma_semaphore, #tpu.memory_space<semaphore_mem>>) {add = true}
        %dma_wait3A = arith.constant 1920 : i32
        %dma_wait3A_112 = tpu.memref_slice %arg10[%dma_wait3A] : memref<2048xi32, #tpu.memory_space<vmem>> -> memref<128xi32, #tpu.memory_space<vmem>>
        %dma_wait3A_113 = arith.constant 0 : i32
        %dma_wait3A_114 = arith.constant 0 : i32
        %dma_wait3A_115 = tpu.memref_slice %arg16[%dma_wait3A_113, %dma_wait3A_114] : memref<10240x128xf32, #tpu.memory_space<vmem_shared>> -> memref<10240x128xf32, #tpu.memory_space<vmem_shared>>
        tpu.wait_indirect_dma semaphore(%run_scoped3A : memref<!tpu.dma_semaphore, #tpu.memory_space<semaphore_mem>>) src(%arg12 : memref<128x128xf32, #tpu.memory_space<vmem>>) dst(%dma_wait3A_115 : memref<10240x128xf32, #tpu.memory_space<vmem_shared>>)
        tpu.yield
      }) : () -> ()
      %add3A_93 = arith.constant 1 : i32
      %add3A_94 = arith.addi %add3A_79, %add3A_93 : i32
      %lt3A_95 = arith.constant 10 : i32
      %lt3A_96 = arith.cmpi slt, %add3A_94, %lt3A_95 : i32
      %convert_element_type3A_97 = arith.extui %lt3A_96 : i1 to i32
      %cond3A_98 = arith.constant 0 : i32
      %cond3A_99 = arith.cmpi ne, %convert_element_type3A_97, %cond3A_98 : i32
      scf.if %cond3A_99 {
        %dma_start3A_107 = arith.constant 128 : i32
        %dma_start3A_108 = tpu.memref_slice %arg7[%dma_start3A_107] : memref<2048xi32, #tpu.memory_space<vmem>> -> memref<128xi32, #tpu.memory_space<vmem>>
        %dma_start3A_109 = arith.constant 0 : i32
        %dma_start3A_110 = arith.constant 0 : i32
        %dma_start3A_111 = tpu.memref_slice %arg2[%dma_start3A_109, %dma_start3A_110] : memref<20000x128xf32, #tpu.memory_space<hbm>> -> memref<20000x128xf32, #tpu.memory_space<hbm>>
        tpu.enqueue_indirect_dma source(%dma_start3A_111 : memref<20000x128xf32, #tpu.memory_space<hbm>>) target(%arg12 : memref<128x128xf32, #tpu.memory_space<vmem>>) offsets(%dma_start3A_108 : memref<128xi32, #tpu.memory_space<vmem>>) semaphore(%arg14 : memref<!tpu.dma_semaphore, #tpu.memory_space<semaphore_mem>>)
      } else {
      }
      %add3A_100 = arith.constant 2 : i32
      %add3A_101 = arith.addi %add3A_79, %add3A_100 : i32
      %lt3A_102 = arith.constant 10 : i32
      %lt3A_103 = arith.cmpi slt, %add3A_101, %lt3A_102 : i32
      %convert_element_type3A_104 = arith.extui %lt3A_103 : i1 to i32
      %cond3A_105 = arith.constant 0 : i32
      %cond3A_106 = arith.cmpi ne, %convert_element_type3A_104, %cond3A_105 : i32
      scf.if %cond3A_106 {
        %add3A_107 = arith.constant 2 : i32
        %add3A_108 = arith.addi %add3A_79, %add3A_107 : i32
        %mul3A_109 = arith.constant 2048 : i32
        %mul3A_110 = arith.muli %add3A_108, %mul3A_109 : i32
        %add3A_111 = arith.addi %multiple_of3A, %mul3A_110 : i32
        %multiple_of3A_112 = tpu.assume_multiple %add3A_111, 8 : i32
        %dma_start3A_113 = tpu.memref_slice %arg4[%multiple_of3A_112] : memref<655360xi32, #tpu.memory_space<hbm>> -> memref<2048xi32, #tpu.memory_space<hbm>>
        %dma_start3A_114 = tpu.memref_slice %arg4[%multiple_of3A_112] : memref<655360xi32, #tpu.memory_space<hbm>> -> memref<2048xi32, #tpu.memory_space<hbm>>
        tpu.enqueue_dma source(%dma_start3A_114 : memref<2048xi32, #tpu.memory_space<hbm>>) target(%arg8 : memref<2048xi32, #tpu.memory_space<vmem>>) target_semaphore(%arg15 : memref<!tpu.dma_semaphore, #tpu.memory_space<semaphore_mem>>)
        %dma_start3A_115 = tpu.memref_slice %arg3[%multiple_of3A_112] : memref<655360xi32, #tpu.memory_space<hbm>> -> memref<2048xi32, #tpu.memory_space<hbm>>
        %dma_start3A_116 = tpu.memref_slice %arg3[%multiple_of3A_112] : memref<655360xi32, #tpu.memory_space<hbm>> -> memref<2048xi32, #tpu.memory_space<hbm>>
        tpu.enqueue_dma source(%dma_start3A_116 : memref<2048xi32, #tpu.memory_space<hbm>>) target(%arg10 : memref<2048xi32, #tpu.memory_space<vmem>>) target_semaphore(%arg15 : memref<!tpu.dma_semaphore, #tpu.memory_space<semaphore_mem>>)
      } else {
      }
    }
    %scan3A_35 = arith.constant 5 : i32
    %barrier3A_36 = arith.constant 0 : index
    tpu.barrier barrier_id(%barrier3A_36)
    %add3A_37 = arith.constant 0 : i32
    %add3A_38 = arith.addi %mul3A_4, %add3A_37 : i32
    "tpu.region"() ({
      %run_scoped3A = tpu.sem_alloc : memref<!tpu.dma_semaphore, #tpu.memory_space<semaphore_mem>>
      %dma_start3A_47 = arith.constant 0 : i32
      %dma_start3A_48 = tpu.memref_slice %arg16[%add3A_38, %dma_start3A_47] : memref<10240x128xf32, #tpu.memory_space<vmem_shared>> -> memref<128x128xf32, #tpu.memory_space<vmem_shared>>
      %dma_start3A_49 = arith.constant 0 : i32
      %dma_start3A_50 = tpu.memref_slice %arg16[%add3A_38, %dma_start3A_49] : memref<10240x128xf32, #tpu.memory_space<vmem_shared>> -> memref<128x128xf32, #tpu.memory_space<vmem_shared>>
      tpu.enqueue_dma source(%dma_start3A_50 : memref<128x128xf32, #tpu.memory_space<vmem_shared>>) target(%arg11 : memref<128x128xf32, #tpu.memory_space<vmem>>) target_semaphore(%run_scoped3A : memref<!tpu.dma_semaphore, #tpu.memory_space<semaphore_mem>>)
      %dma_wait3A = arith.constant 0 : i32
      %dma_wait3A_51 = tpu.memref_slice %arg16[%add3A_38, %dma_wait3A] : memref<10240x128xf32, #tpu.memory_space<vmem_shared>> -> memref<128x128xf32, #tpu.memory_space<vmem_shared>>
      %dma_wait3A_52 = arith.constant 0 : i32
      %dma_wait3A_53 = tpu.memref_slice %arg16[%add3A_38, %dma_wait3A_52] : memref<10240x128xf32, #tpu.memory_space<vmem_shared>> -> memref<128x128xf32, #tpu.memory_space<vmem_shared>>
      tpu.wait_dma2 semaphore(%run_scoped3A : memref<!tpu.dma_semaphore, #tpu.memory_space<semaphore_mem>>) src(%dma_wait3A_53 : memref<128x128xf32, #tpu.memory_space<vmem_shared>>) dst(%arg11 : memref<128x128xf32, #tpu.memory_space<vmem>>)
      tpu.yield
    }) : () -> ()
    "tpu.region"() ({
      %run_scoped3A = tpu.sem_alloc : memref<!tpu.dma_semaphore, #tpu.memory_space<semaphore_mem>>
      %dma_start3A_47 = arith.constant 0 : i32
      %dma_start3A_48 = tpu.memref_slice %arg6[%arg0, %add3A_38, %dma_start3A_47] : memref<2x10240x128xf32, #tpu.memory_space<hbm>> -> memref<1x128x128xf32, #tpu.memory_space<hbm>>
      %dma_start3A_49 = tpu.memref_squeeze %dma_start3A_48 : memref<1x128x128xf32, #tpu.memory_space<hbm>> -> memref<128x128xf32, #tpu.memory_space<hbm>>
      %dma_start3A_50 = arith.constant 0 : i32
      %dma_start3A_51 = tpu.memref_slice %arg6[%arg0, %add3A_38, %dma_start3A_50] : memref<2x10240x128xf32, #tpu.memory_space<hbm>> -> memref<1x128x128xf32, #tpu.memory_space<hbm>>
      %dma_start3A_52 = tpu.memref_squeeze %dma_start3A_51 : memref<1x128x128xf32, #tpu.memory_space<hbm>> -> memref<128x128xf32, #tpu.memory_space<hbm>>
      tpu.enqueue_dma source(%arg11 : memref<128x128xf32, #tpu.memory_space<vmem>>) target(%dma_start3A_52 : memref<128x128xf32, #tpu.memory_space<hbm>>) target_semaphore(%run_scoped3A : memref<!tpu.dma_semaphore, #tpu.memory_space<semaphore_mem>>)
      %dma_wait3A = arith.constant 0 : i32
      %dma_wait3A_53 = tpu.memref_slice %arg6[%arg0, %add3A_38, %dma_wait3A] : memref<2x10240x128xf32, #tpu.memory_space<hbm>> -> memref<1x128x128xf32, #tpu.memory_space<hbm>>
      %dma_wait3A_54 = tpu.memref_squeeze %dma_wait3A_53 : memref<1x128x128xf32, #tpu.memory_space<hbm>> -> memref<128x128xf32, #tpu.memory_space<hbm>>
      %dma_wait3A_55 = arith.constant 0 : i32
      %dma_wait3A_56 = tpu.memref_slice %arg6[%arg0, %add3A_38, %dma_wait3A_55] : memref<2x10240x128xf32, #tpu.memory_space<hbm>> -> memref<1x128x128xf32, #tpu.memory_space<hbm>>
      %dma_wait3A_57 = tpu.memref_squeeze %dma_wait3A_56 : memref<1x128x128xf32, #tpu.memory_space<hbm>> -> memref<128x128xf32, #tpu.memory_space<hbm>>
      tpu.wait_dma2 semaphore(%run_scoped3A : memref<!tpu.dma_semaphore, #tpu.memory_space<semaphore_mem>>) src(%arg11 : memref<128x128xf32, #tpu.memory_space<vmem>>) dst(%dma_wait3A_57 : memref<128x128xf32, #tpu.memory_space<hbm>>)
      tpu.yield
    }) : () -> ()
    %add3A_39 = arith.constant 128 : i32
    %add3A_40 = arith.addi %mul3A_4, %add3A_39 : i32
    "tpu.region"() ({
      %run_scoped3A = tpu.sem_alloc : memref<!tpu.dma_semaphore, #tpu.memory_space<semaphore_mem>>
      %dma_start3A_47 = arith.constant 0 : i32
      %dma_start3A_48 = tpu.memref_slice %arg16[%add3A_40, %dma_start3A_47] : memref<10240x128xf32, #tpu.memory_space<vmem_shared>> -> memref<128x128xf32, #tpu.memory_space<vmem_shared>>
      %dma_start3A_49 = arith.constant 0 : i32
      %dma_start3A_50 = tpu.memref_slice %arg16[%add3A_40, %dma_start3A_49] : memref<10240x128xf32, #tpu.memory_space<vmem_shared>> -> memref<128x128xf32, #tpu.memory_space<vmem_shared>>
      tpu.enqueue_dma source(%dma_start3A_50 : memref<128x128xf32, #tpu.memory_space<vmem_shared>>) target(%arg11 : memref<128x128xf32, #tpu.memory_space<vmem>>) target_semaphore(%run_scoped3A : memref<!tpu.dma_semaphore, #tpu.memory_space<semaphore_mem>>)
      %dma_wait3A = arith.constant 0 : i32
      %dma_wait3A_51 = tpu.memref_slice %arg16[%add3A_40, %dma_wait3A] : memref<10240x128xf32, #tpu.memory_space<vmem_shared>> -> memref<128x128xf32, #tpu.memory_space<vmem_shared>>
      %dma_wait3A_52 = arith.constant 0 : i32
      %dma_wait3A_53 = tpu.memref_slice %arg16[%add3A_40, %dma_wait3A_52] : memref<10240x128xf32, #tpu.memory_space<vmem_shared>> -> memref<128x128xf32, #tpu.memory_space<vmem_shared>>
      tpu.wait_dma2 semaphore(%run_scoped3A : memref<!tpu.dma_semaphore, #tpu.memory_space<semaphore_mem>>) src(%dma_wait3A_53 : memref<128x128xf32, #tpu.memory_space<vmem_shared>>) dst(%arg11 : memref<128x128xf32, #tpu.memory_space<vmem>>)
      tpu.yield
    }) : () -> ()
    "tpu.region"() ({
      %run_scoped3A = tpu.sem_alloc : memref<!tpu.dma_semaphore, #tpu.memory_space<semaphore_mem>>
      %dma_start3A_47 = arith.constant 0 : i32
      %dma_start3A_48 = tpu.memref_slice %arg6[%arg0, %add3A_40, %dma_start3A_47] : memref<2x10240x128xf32, #tpu.memory_space<hbm>> -> memref<1x128x128xf32, #tpu.memory_space<hbm>>
      %dma_start3A_49 = tpu.memref_squeeze %dma_start3A_48 : memref<1x128x128xf32, #tpu.memory_space<hbm>> -> memref<128x128xf32, #tpu.memory_space<hbm>>
      %dma_start3A_50 = arith.constant 0 : i32
      %dma_start3A_51 = tpu.memref_slice %arg6[%arg0, %add3A_40, %dma_start3A_50] : memref<2x10240x128xf32, #tpu.memory_space<hbm>> -> memref<1x128x128xf32, #tpu.memory_space<hbm>>
      %dma_start3A_52 = tpu.memref_squeeze %dma_start3A_51 : memref<1x128x128xf32, #tpu.memory_space<hbm>> -> memref<128x128xf32, #tpu.memory_space<hbm>>
      tpu.enqueue_dma source(%arg11 : memref<128x128xf32, #tpu.memory_space<vmem>>) target(%dma_start3A_52 : memref<128x128xf32, #tpu.memory_space<hbm>>) target_semaphore(%run_scoped3A : memref<!tpu.dma_semaphore, #tpu.memory_space<semaphore_mem>>)
      %dma_wait3A = arith.constant 0 : i32
      %dma_wait3A_53 = tpu.memref_slice %arg6[%arg0, %add3A_40, %dma_wait3A] : memref<2x10240x128xf32, #tpu.memory_space<hbm>> -> memref<1x128x128xf32, #tpu.memory_space<hbm>>
      %dma_wait3A_54 = tpu.memref_squeeze %dma_wait3A_53 : memref<1x128x128xf32, #tpu.memory_space<hbm>> -> memref<128x128xf32, #tpu.memory_space<hbm>>
      %dma_wait3A_55 = arith.constant 0 : i32
      %dma_wait3A_56 = tpu.memref_slice %arg6[%arg0, %add3A_40, %dma_wait3A_55] : memref<2x10240x128xf32, #tpu.memory_space<hbm>> -> memref<1x128x128xf32, #tpu.memory_space<hbm>>
      %dma_wait3A_57 = tpu.memref_squeeze %dma_wait3A_56 : memref<1x128x128xf32, #tpu.memory_space<hbm>> -> memref<128x128xf32, #tpu.memory_space<hbm>>
      tpu.wait_dma2 semaphore(%run_scoped3A : memref<!tpu.dma_semaphore, #tpu.memory_space<semaphore_mem>>) src(%arg11 : memref<128x128xf32, #tpu.memory_space<vmem>>) dst(%dma_wait3A_57 : memref<128x128xf32, #tpu.memory_space<hbm>>)
      tpu.yield
    }) : () -> ()
    %add3A_41 = arith.constant 256 : i32
    %add3A_42 = arith.addi %mul3A_4, %add3A_41 : i32
    "tpu.region"() ({
      %run_scoped3A = tpu.sem_alloc : memref<!tpu.dma_semaphore, #tpu.memory_space<semaphore_mem>>
      %dma_start3A_47 = arith.constant 0 : i32
      %dma_start3A_48 = tpu.memref_slice %arg16[%add3A_42, %dma_start3A_47] : memref<10240x128xf32, #tpu.memory_space<vmem_shared>> -> memref<128x128xf32, #tpu.memory_space<vmem_shared>>
      %dma_start3A_49 = arith.constant 0 : i32
      %dma_start3A_50 = tpu.memref_slice %arg16[%add3A_42, %dma_start3A_49] : memref<10240x128xf32, #tpu.memory_space<vmem_shared>> -> memref<128x128xf32, #tpu.memory_space<vmem_shared>>
      tpu.enqueue_dma source(%dma_start3A_50 : memref<128x128xf32, #tpu.memory_space<vmem_shared>>) target(%arg11 : memref<128x128xf32, #tpu.memory_space<vmem>>) target_semaphore(%run_scoped3A : memref<!tpu.dma_semaphore, #tpu.memory_space<semaphore_mem>>)
      %dma_wait3A = arith.constant 0 : i32
      %dma_wait3A_51 = tpu.memref_slice %arg16[%add3A_42, %dma_wait3A] : memref<10240x128xf32, #tpu.memory_space<vmem_shared>> -> memref<128x128xf32, #tpu.memory_space<vmem_shared>>
      %dma_wait3A_52 = arith.constant 0 : i32
      %dma_wait3A_53 = tpu.memref_slice %arg16[%add3A_42, %dma_wait3A_52] : memref<10240x128xf32, #tpu.memory_space<vmem_shared>> -> memref<128x128xf32, #tpu.memory_space<vmem_shared>>
      tpu.wait_dma2 semaphore(%run_scoped3A : memref<!tpu.dma_semaphore, #tpu.memory_space<semaphore_mem>>) src(%dma_wait3A_53 : memref<128x128xf32, #tpu.memory_space<vmem_shared>>) dst(%arg11 : memref<128x128xf32, #tpu.memory_space<vmem>>)
      tpu.yield
    }) : () -> ()
    "tpu.region"() ({
      %run_scoped3A = tpu.sem_alloc : memref<!tpu.dma_semaphore, #tpu.memory_space<semaphore_mem>>
      %dma_start3A_47 = arith.constant 0 : i32
      %dma_start3A_48 = tpu.memref_slice %arg6[%arg0, %add3A_42, %dma_start3A_47] : memref<2x10240x128xf32, #tpu.memory_space<hbm>> -> memref<1x128x128xf32, #tpu.memory_space<hbm>>
      %dma_start3A_49 = tpu.memref_squeeze %dma_start3A_48 : memref<1x128x128xf32, #tpu.memory_space<hbm>> -> memref<128x128xf32, #tpu.memory_space<hbm>>
      %dma_start3A_50 = arith.constant 0 : i32
      %dma_start3A_51 = tpu.memref_slice %arg6[%arg0, %add3A_42, %dma_start3A_50] : memref<2x10240x128xf32, #tpu.memory_space<hbm>> -> memref<1x128x128xf32, #tpu.memory_space<hbm>>
      %dma_start3A_52 = tpu.memref_squeeze %dma_start3A_51 : memref<1x128x128xf32, #tpu.memory_space<hbm>> -> memref<128x128xf32, #tpu.memory_space<hbm>>
      tpu.enqueue_dma source(%arg11 : memref<128x128xf32, #tpu.memory_space<vmem>>) target(%dma_start3A_52 : memref<128x128xf32, #tpu.memory_space<hbm>>) target_semaphore(%run_scoped3A : memref<!tpu.dma_semaphore, #tpu.memory_space<semaphore_mem>>)
      %dma_wait3A = arith.constant 0 : i32
      %dma_wait3A_53 = tpu.memref_slice %arg6[%arg0, %add3A_42, %dma_wait3A] : memref<2x10240x128xf32, #tpu.memory_space<hbm>> -> memref<1x128x128xf32, #tpu.memory_space<hbm>>
      %dma_wait3A_54 = tpu.memref_squeeze %dma_wait3A_53 : memref<1x128x128xf32, #tpu.memory_space<hbm>> -> memref<128x128xf32, #tpu.memory_space<hbm>>
      %dma_wait3A_55 = arith.constant 0 : i32
      %dma_wait3A_56 = tpu.memref_slice %arg6[%arg0, %add3A_42, %dma_wait3A_55] : memref<2x10240x128xf32, #tpu.memory_space<hbm>> -> memref<1x128x128xf32, #tpu.memory_space<hbm>>
      %dma_wait3A_57 = tpu.memref_squeeze %dma_wait3A_56 : memref<1x128x128xf32, #tpu.memory_space<hbm>> -> memref<128x128xf32, #tpu.memory_space<hbm>>
      tpu.wait_dma2 semaphore(%run_scoped3A : memref<!tpu.dma_semaphore, #tpu.memory_space<semaphore_mem>>) src(%arg11 : memref<128x128xf32, #tpu.memory_space<vmem>>) dst(%dma_wait3A_57 : memref<128x128xf32, #tpu.memory_space<hbm>>)
      tpu.yield
    }) : () -> ()
    %add3A_43 = arith.constant 384 : i32
    %add3A_44 = arith.addi %mul3A_4, %add3A_43 : i32
    "tpu.region"() ({
      %run_scoped3A = tpu.sem_alloc : memref<!tpu.dma_semaphore, #tpu.memory_space<semaphore_mem>>
      %dma_start3A_47 = arith.constant 0 : i32
      %dma_start3A_48 = tpu.memref_slice %arg16[%add3A_44, %dma_start3A_47] : memref<10240x128xf32, #tpu.memory_space<vmem_shared>> -> memref<128x128xf32, #tpu.memory_space<vmem_shared>>
      %dma_start3A_49 = arith.constant 0 : i32
      %dma_start3A_50 = tpu.memref_slice %arg16[%add3A_44, %dma_start3A_49] : memref<10240x128xf32, #tpu.memory_space<vmem_shared>> -> memref<128x128xf32, #tpu.memory_space<vmem_shared>>
      tpu.enqueue_dma source(%dma_start3A_50 : memref<128x128xf32, #tpu.memory_space<vmem_shared>>) target(%arg11 : memref<128x128xf32, #tpu.memory_space<vmem>>) target_semaphore(%run_scoped3A : memref<!tpu.dma_semaphore, #tpu.memory_space<semaphore_mem>>)
      %dma_wait3A = arith.constant 0 : i32
      %dma_wait3A_51 = tpu.memref_slice %arg16[%add3A_44, %dma_wait3A] : memref<10240x128xf32, #tpu.memory_space<vmem_shared>> -> memref<128x128xf32, #tpu.memory_space<vmem_shared>>
      %dma_wait3A_52 = arith.constant 0 : i32
      %dma_wait3A_53 = tpu.memref_slice %arg16[%add3A_44, %dma_wait3A_52] : memref<10240x128xf32, #tpu.memory_space<vmem_shared>> -> memref<128x128xf32, #tpu.memory_space<vmem_shared>>
      tpu.wait_dma2 semaphore(%run_scoped3A : memref<!tpu.dma_semaphore, #tpu.memory_space<semaphore_mem>>) src(%dma_wait3A_53 : memref<128x128xf32, #tpu.memory_space<vmem_shared>>) dst(%arg11 : memref<128x128xf32, #tpu.memory_space<vmem>>)
      tpu.yield
    }) : () -> ()
    "tpu.region"() ({
      %run_scoped3A = tpu.sem_alloc : memref<!tpu.dma_semaphore, #tpu.memory_space<semaphore_mem>>
      %dma_start3A_47 = arith.constant 0 : i32
      %dma_start3A_48 = tpu.memref_slice %arg6[%arg0, %add3A_44, %dma_start3A_47] : memref<2x10240x128xf32, #tpu.memory_space<hbm>> -> memref<1x128x128xf32, #tpu.memory_space<hbm>>
      %dma_start3A_49 = tpu.memref_squeeze %dma_start3A_48 : memref<1x128x128xf32, #tpu.memory_space<hbm>> -> memref<128x128xf32, #tpu.memory_space<hbm>>
      %dma_start3A_50 = arith.constant 0 : i32
      %dma_start3A_51 = tpu.memref_slice %arg6[%arg0, %add3A_44, %dma_start3A_50] : memref<2x10240x128xf32, #tpu.memory_space<hbm>> -> memref<1x128x128xf32, #tpu.memory_space<hbm>>
      %dma_start3A_52 = tpu.memref_squeeze %dma_start3A_51 : memref<1x128x128xf32, #tpu.memory_space<hbm>> -> memref<128x128xf32, #tpu.memory_space<hbm>>
      tpu.enqueue_dma source(%arg11 : memref<128x128xf32, #tpu.memory_space<vmem>>) target(%dma_start3A_52 : memref<128x128xf32, #tpu.memory_space<hbm>>) target_semaphore(%run_scoped3A : memref<!tpu.dma_semaphore, #tpu.memory_space<semaphore_mem>>)
      %dma_wait3A = arith.constant 0 : i32
      %dma_wait3A_53 = tpu.memref_slice %arg6[%arg0, %add3A_44, %dma_wait3A] : memref<2x10240x128xf32, #tpu.memory_space<hbm>> -> memref<1x128x128xf32, #tpu.memory_space<hbm>>
      %dma_wait3A_54 = tpu.memref_squeeze %dma_wait3A_53 : memref<1x128x128xf32, #tpu.memory_space<hbm>> -> memref<128x128xf32, #tpu.memory_space<hbm>>
      %dma_wait3A_55 = arith.constant 0 : i32
      %dma_wait3A_56 = tpu.memref_slice %arg6[%arg0, %add3A_44, %dma_wait3A_55] : memref<2x10240x128xf32, #tpu.memory_space<hbm>> -> memref<1x128x128xf32, #tpu.memory_space<hbm>>
      %dma_wait3A_57 = tpu.memref_squeeze %dma_wait3A_56 : memref<1x128x128xf32, #tpu.memory_space<hbm>> -> memref<128x128xf32, #tpu.memory_space<hbm>>
      tpu.wait_dma2 semaphore(%run_scoped3A : memref<!tpu.dma_semaphore, #tpu.memory_space<semaphore_mem>>) src(%arg11 : memref<128x128xf32, #tpu.memory_space<vmem>>) dst(%dma_wait3A_57 : memref<128x128xf32, #tpu.memory_space<hbm>>)
      tpu.yield
    }) : () -> ()
    %add3A_45 = arith.constant 512 : i32
    %add3A_46 = arith.addi %mul3A_4, %add3A_45 : i32
    "tpu.region"() ({
      %run_scoped3A = tpu.sem_alloc : memref<!tpu.dma_semaphore, #tpu.memory_space<semaphore_mem>>
      %dma_start3A_47 = arith.constant 0 : i32
      %dma_start3A_48 = tpu.memref_slice %arg16[%add3A_46, %dma_start3A_47] : memref<10240x128xf32, #tpu.memory_space<vmem_shared>> -> memref<128x128xf32, #tpu.memory_space<vmem_shared>>
      %dma_start3A_49 = arith.constant 0 : i32
      %dma_start3A_50 = tpu.memref_slice %arg16[%add3A_46, %dma_start3A_49] : memref<10240x128xf32, #tpu.memory_space<vmem_shared>> -> memref<128x128xf32, #tpu.memory_space<vmem_shared>>
      tpu.enqueue_dma source(%dma_start3A_50 : memref<128x128xf32, #tpu.memory_space<vmem_shared>>) target(%arg11 : memref<128x128xf32, #tpu.memory_space<vmem>>) target_semaphore(%run_scoped3A : memref<!tpu.dma_semaphore, #tpu.memory_space<semaphore_mem>>)
      %dma_wait3A = arith.constant 0 : i32
      %dma_wait3A_51 = tpu.memref_slice %arg16[%add3A_46, %dma_wait3A] : memref<10240x128xf32, #tpu.memory_space<vmem_shared>> -> memref<128x128xf32, #tpu.memory_space<vmem_shared>>
      %dma_wait3A_52 = arith.constant 0 : i32
      %dma_wait3A_53 = tpu.memref_slice %arg16[%add3A_46, %dma_wait3A_52] : memref<10240x128xf32, #tpu.memory_space<vmem_shared>> -> memref<128x128xf32, #tpu.memory_space<vmem_shared>>
      tpu.wait_dma2 semaphore(%run_scoped3A : memref<!tpu.dma_semaphore, #tpu.memory_space<semaphore_mem>>) src(%dma_wait3A_53 : memref<128x128xf32, #tpu.memory_space<vmem_shared>>) dst(%arg11 : memref<128x128xf32, #tpu.memory_space<vmem>>)
      tpu.yield
    }) : () -> ()
    "tpu.region"() ({
      %run_scoped3A = tpu.sem_alloc : memref<!tpu.dma_semaphore, #tpu.memory_space<semaphore_mem>>
      %dma_start3A_47 = arith.constant 0 : i32
      %dma_start3A_48 = tpu.memref_slice %arg6[%arg0, %add3A_46, %dma_start3A_47] : memref<2x10240x128xf32, #tpu.memory_space<hbm>> -> memref<1x128x128xf32, #tpu.memory_space<hbm>>
      %dma_start3A_49 = tpu.memref_squeeze %dma_start3A_48 : memref<1x128x128xf32, #tpu.memory_space<hbm>> -> memref<128x128xf32, #tpu.memory_space<hbm>>
      %dma_start3A_50 = arith.constant 0 : i32
      %dma_start3A_51 = tpu.memref_slice %arg6[%arg0, %add3A_46, %dma_start3A_50] : memref<2x10240x128xf32, #tpu.memory_space<hbm>> -> memref<1x128x128xf32, #tpu.memory_space<hbm>>
      %dma_start3A_52 = tpu.memref_squeeze %dma_start3A_51 : memref<1x128x128xf32, #tpu.memory_space<hbm>> -> memref<128x128xf32, #tpu.memory_space<hbm>>
      tpu.enqueue_dma source(%arg11 : memref<128x128xf32, #tpu.memory_space<vmem>>) target(%dma_start3A_52 : memref<128x128xf32, #tpu.memory_space<hbm>>) target_semaphore(%run_scoped3A : memref<!tpu.dma_semaphore, #tpu.memory_space<semaphore_mem>>)
      %dma_wait3A = arith.constant 0 : i32
      %dma_wait3A_53 = tpu.memref_slice %arg6[%arg0, %add3A_46, %dma_wait3A] : memref<2x10240x128xf32, #tpu.memory_space<hbm>> -> memref<1x128x128xf32, #tpu.memory_space<hbm>>
      %dma_wait3A_54 = tpu.memref_squeeze %dma_wait3A_53 : memref<1x128x128xf32, #tpu.memory_space<hbm>> -> memref<128x128xf32, #tpu.memory_space<hbm>>
      %dma_wait3A_55 = arith.constant 0 : i32
      %dma_wait3A_56 = tpu.memref_slice %arg6[%arg0, %add3A_46, %dma_wait3A_55] : memref<2x10240x128xf32, #tpu.memory_space<hbm>> -> memref<1x128x128xf32, #tpu.memory_space<hbm>>
      %dma_wait3A_57 = tpu.memref_squeeze %dma_wait3A_56 : memref<1x128x128xf32, #tpu.memory_space<hbm>> -> memref<128x128xf32, #tpu.memory_space<hbm>>
      tpu.wait_dma2 semaphore(%run_scoped3A : memref<!tpu.dma_semaphore, #tpu.memory_space<semaphore_mem>>) src(%arg11 : memref<128x128xf32, #tpu.memory_space<vmem>>) dst(%dma_wait3A_57 : memref<128x128xf32, #tpu.memory_space<hbm>>)
      tpu.yield
    }) : () -> ()
    return
  }
}

module attributes {stable_mosaic.version = 14 : i64} {
  func.func @_combine_body(%arg0: i32, %arg1: memref<1xf32, #tpu.memory_space<smem>>, %arg2: memref<1x80x128xf32, #tpu.memory_space<vmem>>, %arg3: memref<1x10000x128xf32, #tpu.memory_space<vmem>>, %arg4: memref<1x10000x128xf32, #tpu.memory_space<vmem>>, %arg5: memref<1x10000x128xf32, #tpu.memory_space<vmem>>) attributes {dimension_semantics = [#tpu.dimension_semantics<arbitrary>], iteration_bounds = array<i64: 2>, scalar_prefetch = 0 : i64, scratch_operands = 0 : i64, tpu.core_type = #tpu.core_type<tc>, window_params = [{transform_indices = @transform_0, window_bounds = array<i64: 1>}, {transform_indices = @transform_1, window_bounds = array<i64: 1, 80, 128>}, {transform_indices = @transform_2, window_bounds = array<i64: 1, 10000, 128>}, {transform_indices = @transform_3, window_bounds = array<i64: 1, 10000, 128>}, {transform_indices = @transform_4, window_bounds = array<i64: 1, 10000, 128>}]} {
    %get3A = arith.constant 0 : index
    %get3A_0 = memref.load %arg1[%get3A] : memref<1xf32, #tpu.memory_space<smem>>
    %add3A = arith.constant 1.000000e+00 : f32
    %add3A_1 = arith.addf %add3A, %get3A_0 : f32
    %get3A_2 = arith.constant 0 : index
    %get3A_3 = arith.constant 0 : index
    %get3A_4 = arith.constant 0 : index
    %get3A_5 = vector.load %arg2[%get3A_2, %get3A_3, %get3A_4] : memref<1x80x128xf32, #tpu.memory_space<vmem>>, vector<1x80x128xf32>
    %get3A_6 = vector.shape_cast %get3A_5 : vector<1x80x128xf32> to vector<80x128xf32>
    %reshape3A = vector.shape_cast %get3A_6 : vector<80x128xf32> to vector<10240xf32>
    %slice3A = vector.extract_strided_slice %reshape3A {offsets = [0], sizes = [10000], strides = [1]} : vector<10240xf32> to vector<10000xf32>
    %reshape3A_7 = vector.shape_cast %slice3A : vector<10000xf32> to vector<10000x1xf32>
    %get3A_8 = arith.constant 0 : index
    %get3A_9 = arith.constant 0 : index
    %get3A_10 = arith.constant 0 : index
    %get3A_11 = vector.load %arg3[%get3A_8, %get3A_9, %get3A_10] : memref<1x10000x128xf32, #tpu.memory_space<vmem>>, vector<1x10000x128xf32>
    %get3A_12 = vector.shape_cast %get3A_11 : vector<1x10000x128xf32> to vector<10000x128xf32>
    %get3A_13 = arith.constant 0 : index
    %get3A_14 = arith.constant 0 : index
    %get3A_15 = arith.constant 0 : index
    %get3A_16 = vector.load %arg4[%get3A_13, %get3A_14, %get3A_15] : memref<1x10000x128xf32, #tpu.memory_space<vmem>>, vector<1x10000x128xf32>
    %get3A_17 = vector.shape_cast %get3A_16 : vector<1x10000x128xf32> to vector<10000x128xf32>
    %mul3A = vector.broadcast %add3A_1 : f32 to vector<10000x128xf32>
    %mul3A_18 = arith.mulf %mul3A, %get3A_17 : vector<10000x128xf32>
    %add3A_19 = arith.addf %get3A_12, %mul3A_18 : vector<10000x128xf32>
    %mul3A_20 = vector.broadcast %reshape3A_7 : vector<10000x1xf32> to vector<10000x128xf32>
    %mul3A_21 = arith.mulf %mul3A_20, %add3A_19 : vector<10000x128xf32>
    %swap3A = arith.constant 0 : index
    %swap3A_22 = arith.constant 0 : index
    %swap3A_23 = arith.constant 0 : index
    %swap3A_24 = vector.load %arg5[%swap3A, %swap3A_22, %swap3A_23] : memref<1x10000x128xf32, #tpu.memory_space<vmem>>, vector<1x10000x128xf32>
    %swap3A_25 = vector.shape_cast %swap3A_24 : vector<1x10000x128xf32> to vector<10000x128xf32>
    %swap3A_26 = vector.shape_cast %mul3A_21 : vector<10000x128xf32> to vector<1x10000x128xf32>
    tpu.vector_store %arg5[%swap3A, %swap3A_22, %swap3A_23], %swap3A_26 {strides = array<i32>} : memref<1x10000x128xf32, #tpu.memory_space<vmem>>, vector<1x10000x128xf32>,
    return
  }
  func.func @transform_0(%arg0: i32) -> i32 {
    %c0_i32 = arith.constant 0 : i32
    %c0_i32_0 = arith.constant 0 : i32
    return %c0_i32 : i32
  }
  func.func @transform_1(%arg0: i32) -> (i32, i32, i32) {
    %c0_i32 = arith.constant 0 : i32
    %c0_i32_0 = arith.constant 0 : i32
    %c0_i32_1 = arith.constant 0 : i32
    return %arg0, %c0_i32, %c0_i32_0 : i32, i32, i32
  }
  func.func @transform_2(%arg0: i32) -> (i32, i32, i32) {
    %c0_i32 = arith.constant 0 : i32
    %c0_i32_0 = arith.constant 0 : i32
    %c0_i32_1 = arith.constant 0 : i32
    return %arg0, %c0_i32, %c0_i32_0 : i32, i32, i32
  }
  func.func @transform_3(%arg0: i32) -> (i32, i32, i32) {
    %c0_i32 = arith.constant 0 : i32
    %c0_i32_0 = arith.constant 0 : i32
    %c0_i32_1 = arith.constant 0 : i32
    return %arg0, %c0_i32, %c0_i32_0 : i32, i32, i32
  }
  func.func @transform_4(%arg0: i32) -> (i32, i32, i32) {
    %c0_i32 = arith.constant 0 : i32
    %c0_i32_0 = arith.constant 0 : i32
    %c0_i32_1 = arith.constant 0 : i32
    return %arg0, %c0_i32, %c0_i32_0 : i32, i32, i32
  }
}

module attributes {stable_mosaic.version = 14 : i64} {
  func.func @_scale_body(%arg0: memref<2x80x128xf32, #tpu.memory_space<vmem>>, %arg1: memref<10000x128xf32, #tpu.memory_space<vmem>>, %arg2: memref<10000x128xf32, #tpu.memory_space<vmem>>, %arg3: memref<2x80x128xf32, #tpu.memory_space<vmem>>, %arg4: memref<2x10000x128xf32, #tpu.memory_space<vmem>>) attributes {dimension_semantics = [], scalar_prefetch = 0 : i64, scratch_operands = 0 : i64, tpu.core_type = #tpu.core_type<tc>} {
    %get3A = arith.constant 0 : index
    %get3A_0 = arith.constant 0 : index
    %get3A_1 = arith.constant 0 : index
    %get3A_2 = vector.load %arg0[%get3A, %get3A_0, %get3A_1] : memref<2x80x128xf32, #tpu.memory_space<vmem>>, vector<1x80x128xf32>
    %get3A_3 = vector.shape_cast %get3A_2 : vector<1x80x128xf32> to vector<80x128xf32>
    %max3A = arith.constant 1.000000e+00 : f32
    %max3A_4 = vector.broadcast %max3A : f32 to vector<80x128xf32>
    %max3A_5 = arith.maximumf %get3A_3, %max3A_4 : vector<80x128xf32>
    %rsqrt3A = math.rsqrt %max3A_5 : vector<80x128xf32>
    %swap3A = arith.constant 0 : index
    %swap3A_6 = arith.constant 0 : index
    %swap3A_7 = arith.constant 0 : index
    %swap3A_8 = vector.load %arg3[%swap3A, %swap3A_6, %swap3A_7] : memref<2x80x128xf32, #tpu.memory_space<vmem>>, vector<1x80x128xf32>
    %swap3A_9 = vector.shape_cast %swap3A_8 : vector<1x80x128xf32> to vector<80x128xf32>
    %swap3A_10 = vector.shape_cast %rsqrt3A : vector<80x128xf32> to vector<1x80x128xf32>
    tpu.vector_store %arg3[%swap3A, %swap3A_6, %swap3A_7], %swap3A_10 {strides = array<i32>} : memref<2x80x128xf32, #tpu.memory_space<vmem>>, vector<1x80x128xf32>,
    %reshape3A = vector.shape_cast %rsqrt3A : vector<80x128xf32> to vector<10240xf32>
    %slice3A = vector.extract_strided_slice %reshape3A {offsets = [0], sizes = [10000], strides = [1]} : vector<10240xf32> to vector<10000xf32>
    %reshape3A_11 = vector.shape_cast %slice3A : vector<10000xf32> to vector<10000x1xf32>
    %get3A_12 = arith.constant 0 : index
    %get3A_13 = arith.constant 0 : index
    %get3A_14 = vector.load %arg1[%get3A_12, %get3A_13] : memref<10000x128xf32, #tpu.memory_space<vmem>>, vector<10000x128xf32>
    %mul3A = vector.broadcast %reshape3A_11 : vector<10000x1xf32> to vector<10000x128xf32>
    %mul3A_15 = arith.mulf %mul3A, %get3A_14 : vector<10000x128xf32>
    %swap3A_16 = arith.constant 0 : index
    %swap3A_17 = arith.constant 0 : index
    %swap3A_18 = arith.constant 0 : index
    %swap3A_19 = vector.load %arg4[%swap3A_16, %swap3A_17, %swap3A_18] : memref<2x10000x128xf32, #tpu.memory_space<vmem>>, vector<1x10000x128xf32>
    %swap3A_20 = vector.shape_cast %swap3A_19 : vector<1x10000x128xf32> to vector<10000x128xf32>
    %swap3A_21 = vector.shape_cast %mul3A_15 : vector<10000x128xf32> to vector<1x10000x128xf32>
    tpu.vector_store %arg4[%swap3A_16, %swap3A_17, %swap3A_18], %swap3A_21 {strides = array<i32>} : memref<2x10000x128xf32, #tpu.memory_space<vmem>>, vector<1x10000x128xf32>,
    %get3A_22 = arith.constant 1 : index
    %get3A_23 = arith.constant 0 : index
    %get3A_24 = arith.constant 0 : index
    %get3A_25 = vector.load %arg0[%get3A_22, %get3A_23, %get3A_24] : memref<2x80x128xf32, #tpu.memory_space<vmem>>, vector<1x80x128xf32>
    %get3A_26 = vector.shape_cast %get3A_25 : vector<1x80x128xf32> to vector<80x128xf32>
    %max3A_27 = arith.constant 1.000000e+00 : f32
    %max3A_28 = vector.broadcast %max3A_27 : f32 to vector<80x128xf32>
    %max3A_29 = arith.maximumf %get3A_26, %max3A_28 : vector<80x128xf32>
    %rsqrt3A_30 = math.rsqrt %max3A_29 : vector<80x128xf32>
    %swap3A_31 = arith.constant 1 : index
    %swap3A_32 = arith.constant 0 : index
    %swap3A_33 = arith.constant 0 : index
    %swap3A_34 = vector.load %arg3[%swap3A_31, %swap3A_32, %swap3A_33] : memref<2x80x128xf32, #tpu.memory_space<vmem>>, vector<1x80x128xf32>
    %swap3A_35 = vector.shape_cast %swap3A_34 : vector<1x80x128xf32> to vector<80x128xf32>
    %swap3A_36 = vector.shape_cast %rsqrt3A_30 : vector<80x128xf32> to vector<1x80x128xf32>
    tpu.vector_store %arg3[%swap3A_31, %swap3A_32, %swap3A_33], %swap3A_36 {strides = array<i32>} : memref<2x80x128xf32, #tpu.memory_space<vmem>>, vector<1x80x128xf32>,
    %reshape3A_37 = vector.shape_cast %rsqrt3A_30 : vector<80x128xf32> to vector<10240xf32>
    %slice3A_38 = vector.extract_strided_slice %reshape3A_37 {offsets = [0], sizes = [10000], strides = [1]} : vector<10240xf32> to vector<10000xf32>
    %reshape3A_39 = vector.shape_cast %slice3A_38 : vector<10000xf32> to vector<10000x1xf32>
    %get3A_40 = arith.constant 0 : index
    %get3A_41 = arith.constant 0 : index
    %get3A_42 = vector.load %arg2[%get3A_40, %get3A_41] : memref<10000x128xf32, #tpu.memory_space<vmem>>, vector<10000x128xf32>
    %mul3A_43 = vector.broadcast %reshape3A_39 : vector<10000x1xf32> to vector<10000x128xf32>
    %mul3A_44 = arith.mulf %mul3A_43, %get3A_42 : vector<10000x128xf32>
    %swap3A_45 = arith.constant 1 : index
    %swap3A_46 = arith.constant 0 : index
    %swap3A_47 = arith.constant 0 : index
    %swap3A_48 = vector.load %arg4[%swap3A_45, %swap3A_46, %swap3A_47] : memref<2x10000x128xf32, #tpu.memory_space<vmem>>, vector<1x10000x128xf32>
    %swap3A_49 = vector.shape_cast %swap3A_48 : vector<1x10000x128xf32> to vector<10000x128xf32>
    %swap3A_50 = vector.shape_cast %mul3A_44 : vector<10000x128xf32> to vector<1x10000x128xf32>
    tpu.vector_store %arg4[%swap3A_45, %swap3A_46, %swap3A_47], %swap3A_50 {strides = array<i32>} : memref<2x10000x128xf32, #tpu.memory_space<vmem>>, vector<1x10000x128xf32>,
    return
  }
}

</mosaic_0001>

<sc_bundles>
// kernel: kernel.6.cloned.1.call-start
scs
__scs_entry_jumppad:
0x0: {  	(pc) =	sbr.rel $0x88, $3  }
0x1: {  	(tag) =	ssettag $0x0;
	lr =	simm.s32 $0x1  }
0x2: {  	[smem:$0x3F9C] =	sst lr;
	_ =	strace $0xD0000000  }
0x3: {  	_ = 	snop  }
0x4: {  	_ = 	snop  }
0x5: {  	_ = 	snop  }
0x6: {  	_ = 	snop  }
0x7: {  	_ = 	snop  }
__scs_overlays_trampoline_lowered:
0x8: {  	[smem:$0x3FAB] =	sst s0  }
0x9: {  	[smem:$0x3FAC] =	sst s1  }
0xa: {  	[smem:$0x3FAD] =	sst s2  }
0xb: {  	[smem:$0x3FAE] =	sst s3  }
0xc: {  	[smem:$0x3FAF] =	sst s4  }
0xd: {  	[smem:$0x3FB0] =	sst s5  }
0xe: {  	[smem:$0x3FB1] =	sst s6  }
0xf: {  	[smem:$0x3FB2] =	sst s7  }
0x10: {  	[smem:$0x3FB3] =	sst s8  }
0x11: {  	[smem:$0x3FB4] =	sst s9;
	s0 =	simm.s32 @!p0 $0x0  }
0x12: {  	s1 =	sld [smem:$0x3F9A];
	s0 =	simm.s32 @p0 $0x1  }
0x13: {  	[smem:$0x3FB5] =	sst s0;
	s0 =	simm.s32 @!p1 $0x0  }
0x14: {  	s2 =	sld [smem:$0x3F99];
	s0 =	simm.s32 @p1 $0x1  }
0x15: {  	[smem:$0x3FB6] =	sst s0;
	s0 =	simm.s32 @!p2 $0x0  }
0x16: {  	s3 =	sld [smem:$0x3FDB];
	s0 =	simm.s32 @p2 $0x1  }
0x17: {  	s4 =	simm.s32 $0x1BF5;
	[smem:$0x3FB8] =	sst s0  }
0x18: {  	s0 =	sld [smem:$0x3F9B];
	_ =	swait.ge [sflag:s4], $0x0  }
0x19: {  	s7 =	sld [smem:$0x3F9C]  }
0x1a: {  	s8 =	sadd.s32 $0xFFFFE003, lr  }
0x1b: {  	s9 =	sadd.s32 $0xFFFFFEF7, lr;
	s5 =	simm.s32 $0xFFFFFFFF;
	p2 =	slt.u32 s8, $0xFFFFF086  }
0x1c: {  	p1 =	slt.u32 s9, $0xF7A;
	s5 =	simm.s32 @!p2 $0x0  }
0x1d: {  	s5 =	simm.s32 @p1 $0x1;
	p0 =	seq.s32 s7, s2  }
0x1e: {  	s7 =	smul.u32 @!p0 $0xF7A, s2;
	p2 =	seq.s32 @!p0 s5, $0x0  }
0x1f: {  	s9 =	smul.u32 $0xF7A, s1;
	s8 =	simm.s32 @!p0 $0x1BF5;
	p2 =	por !p2, p0  }
0x20: {  	[sflag:s8] =	ssyncset.s32 @!p0 $0xFFFFF086;
	s6 =	sadd.s32 @!p0 s3, s7;
	s7 =	simm.s32 @!p0 $0x108  }
0x21: {  	s3 =	sadd.s32 s3, s9;
	s6 =	sadd.s32 @!p0 $0x88, s6;
	s7 =	simm.s32 @p2 $0x1082  }
0x22: {  	[simem:s7], [sflag:s8] =	dma.local @!p0 [hbm:s6], $0xF7A  }
0x23: {  	s9 =	sor.u32 $0xD0000000, s2;
	s6 =	simm.s32 $0x108;
	_ =	swait.ge @!p0 [sflag:s8], $0x0  }
0x24: {  	s3 =	sadd.s32 $0x88, s3;
	s6 =	simm.s32 @!p1 $0x1082;
	[sflag:s4] =	ssyncset.s32 $0xFFFFF086  }
0x25: {  	[simem:s6], [sflag:s4] =	dma.local [hbm:s3], $0xF7A  }
0x26: {  	[smem:$0x3F9C] =	sst s1;
	(tag) =	ssettag s2;
	_ =	strace s9  }
0x27: {  	s1 =	sld [smem:$0x3FAC]  }
0x28: {  	s2 =	sld [smem:$0x3FAD]  }
0x29: {  	s4 =	sld [smem:$0x3FAF]  }
0x2a: {  	p0 =	seq.s32 s5, $0x0;
	s5 =	sld [smem:$0x3FB0]  }
0x2b: {  	s6 =	sld [smem:$0x3FB1]  }
0x2c: {  	s7 =	sld [smem:$0x3FB2]  }
0x2d: {  	s3 =	simm.s32 $0x108;
	s8 =	sld [smem:$0x3FB3]  }
0x2e: {  	s3 =	simm.s32 @!p0 $0x1082;
	s9 =	sld [smem:$0x3FB4]  }
0x2f: {  	lr =	sadd.s32 s0, s3;
	s0 =	sld [smem:$0x3FAB]  }
0x30: {  	s3 =	sld [smem:$0x3FAE]  }
0x31: {  	[smem:$0x3FB7] =	sst s10  }
0x32: {  	s10 =	sld [smem:$0x3FB5];
	_ =	sdelay $0x3  }
0x33: {  	p0 =	seq.s32 s10, $0x1;
	s10 =	sld [smem:$0x3FB7];
	_ =	sdelay $0x3  }
0x34: {  	[smem:$0x3FB7] =	sst s10  }
0x35: {  	s10 =	sld [smem:$0x3FB6];
	_ =	sdelay $0x3  }
0x36: {  	p1 =	seq.s32 s10, $0x1;
	s10 =	sld [smem:$0x3FB7];
	_ =	sdelay $0x3  }
0x37: {  	[smem:$0x3FB7] =	sst s10  }
0x38: {  	s10 =	sld [smem:$0x3FB8]  }
0x39: {  	_ = 	snop;
	(pc) =	sbr.ind lr, $3  }
0x3a: {  	_ = 	snop  }
0x3b: {  	_ = 	snop  }
0x3c: {  	p2 =	seq.s32 s10, $0x1;
	s10 =	sld [smem:$0x3FB7]  }
0x3d: {  	_ =	shalt  }
0x3e: {  	_ =	shalt  }
0x3f: {  	_ =	shalt  }
0x40: {  	_ =	shalt  }
0x41: {  	_ =	shalt  }
0x42: {  	_ =	shalt  }
0x43: {  	_ =	shalt  }
0x44: {  	_ =	shalt  }
0x45: {  	_ =	shalt  }
0x46: {  	_ =	shalt  }
0x47: {  	_ =	shalt  }
0x48: {  	_ =	shalt  }
0x49: {  	_ =	shalt  }
0x4a: {  	_ =	shalt  }
0x4b: {  	_ =	shalt  }
0x4c: {  	_ =	shalt  }
0x4d: {  	_ =	shalt  }
0x4e: {  	_ =	shalt  }
0x4f: {  	_ =	shalt  }
0x50: {  	_ =	shalt  }
0x51: {  	_ =	shalt  }
0x52: {  	_ =	shalt  }
0x53: {  	_ =	shalt  }
0x54: {  	_ =	shalt  }
0x55: {  	_ =	shalt  }
0x56: {  	_ =	shalt  }
0x57: {  	_ =	shalt  }
0x58: {  	_ =	shalt  }
0x59: {  	_ =	shalt  }
0x5a: {  	_ =	shalt  }
0x5b: {  	_ =	shalt  }
0x5c: {  	_ =	shalt  }
0x5d: {  	_ =	shalt  }
0x5e: {  	_ =	shalt  }
0x5f: {  	_ =	shalt  }
0x60: {  	_ =	shalt  }
0x61: {  	_ =	shalt  }
0x62: {  	_ =	shalt  }
0x63: {  	_ =	shalt  }
0x64: {  	_ =	shalt  }
0x65: {  	_ =	shalt  }
0x66: {  	_ =	shalt  }
0x67: {  	_ =	shalt  }
0x68: {  	_ =	shalt  }
0x69: {  	_ =	shalt  }
0x6a: {  	_ =	shalt  }
0x6b: {  	_ =	shalt  }
0x6c: {  	_ =	shalt  }
0x6d: {  	_ =	shalt  }
0x6e: {  	_ =	shalt  }
0x6f: {  	_ =	shalt  }
0x70: {  	_ =	shalt  }
0x71: {  	_ =	shalt  }
0x72: {  	_ =	shalt  }
0x73: {  	_ =	shalt  }
0x74: {  	_ =	shalt  }
0x75: {  	_ =	shalt  }
0x76: {  	_ =	shalt  }
0x77: {  	_ =	shalt  }
0x78: {  	_ =	shalt  }
0x79: {  	_ =	shalt  }
0x7a: {  	_ =	shalt  }
0x7b: {  	_ =	shalt  }
0x7c: {  	_ =	shalt  }
0x7d: {  	_ =	shalt  }
0x7e: {  	_ =	shalt  }
0x7f: {  	_ =	shalt  }
0x80: {  	_ =	shalt  }
0x81: {  	_ =	shalt  }
0x82: {  	_ =	shalt  }
0x83: {  	_ =	shalt  }
0x84: {  	_ =	shalt  }
0x85: {  	_ =	shalt  }
0x86: {  	_ =	shalt  }
0x87: {  	_ =	shalt  }
.Lfunc_end0:
.L_simem_size_0:
called_computation_lowered:
.L_overlay_start_0:
0x88: {  	s2 =	sld [smem:$0x3FD9]  }
0x89: {  	s3 =	sld [smem:$0x3FFE];
	_ =	sdelay $0x1  }
0x8a: {  	s1 =	srdreg.scid  }
0x8b: {  	s0 =	sand.u32 $0x1, s1  }
0x8c: {  	s14 =	sshll.u32 s0, $0xA;
	s2 =	sadd.s32 s3, s2  }
0x8d: {  	s2 =	sadd.s32 s2, s14  }
0x8e: {  	[smem:$0x3FC3] =	sst s2  }
0x8f: {  	_ = 	snop  }
0x90: {  	s2 =	sld [smem:$0x3FD0];
	_ =	sdelay $0x2  }
0x91: {  	s15 =	simm.s32 $0xA;
	s4 =	simm.s32 $0x10  }
0x92: {  	[smem:s4], [sflag:s15] =	dma.local [hbm:s2], $0x1  }
0x93: {  	_ =	swait.eq [sflag:s15], $0x1  }
0x94: {  	[sflag:s15] =	ssyncset.done $0x0  }
0x95: {  	[sflag:s15] =	ssyncadd.s32 $0xFFFFFFFF  }
0x96: {  	s16 =	sld [smem:$0x11];
	(tm) =	ssettm $0x1  }
0x97: {  	s17 =	sld [smem:$0x3FFB];
	_ =	sdelay $0x3  }
0x98: {  	_ =	strace s17  }
0x99: {  	s3 =	sld [smem:$0x3FFC];
	_ =	sdelay $0x3  }
0x9a: {  	_ =	strace s3  }
0x9b: {  	s3 =	sld [smem:$0x3FFD];
	_ =	sdelay $0x3  }
0x9c: {  	_ =	strace s3  }
0x9d: {  	_ =	strace $0x8FFFFFFF  }
0x9e: {  	s18 =	sld [smem:$0x3FDB];
	_ =	sdelay $0x1  }
0x9f: {  	s19 =	simm.s32 $_scs_section_size  }
0xa0: {  	s5 =	simm.s32 $_size__tile_overlayer_lowered;
	s6 =	simm.s32 $_tile_overlayer_lowered  }
0xa1: {  	s22 =	simm.s32 $0x1BFF;
	s21 =	sshll.u32 s6, $0x1;
	s3 =	sadd.s32 s19, s18  }
0xa2: {  	s7 =	simm.s32 $0x0;
	s20 =	sshll.u32 s5, $0x1;
	s5 =	sadd.s32 s21, s3  }
0xa3: {  	[timem:s7], [sflag:s22] =	dma.local [hbm:s5], s20  }
0xa4: {  	_ =	swait.ge [sflag:s22], s20  }
0xa5: {  	s4 =	ssub.s32 $0x0, s20;
	[sflag:s22] =	ssyncset.done $0x0  }
0xa6: {  	[sflag:s22] =	ssyncadd.s32 s4;
	_ =	sdelay $0x1  }
0xa7: {  	s23 =	simm.s32 $0x1B8B  }
0xa8: {  	_ =	swait.ge [sflag:s23], $0x1  }
0xa9: {  	[sflag:s23] =	ssyncset.done $0x0  }
0xaa: {  	s25 =	simm.s32 $0x1B8E;
	s24 =	sld [smem:$0x3FFE];
	[sflag:s23] =	ssyncadd.s32 $0xFFFFFFFF  }
0xab: {  	s26 =	simm.s32 $execute0_lowered;
	[smem:$0x3FD2] =	sst s25  }
0xac: {  	s5 =	sshll.u32 s26, $0x1;
	_ =	strace $0x80000046;
	[dreg:$0x1] =	wrdreg $0xFFFFFFFF  }
0xad: {  	s28 =	simm.s32 $_size_execute0_lowered;
	s3 =	sadd.s32 s3, s5;
	[dreg:$0x0] =	wrdreg $0x0  }
0xae: {  	s5 =	sshll.u32 s28, $0x1;
	[dreg:$0x2] =	wrdreg s3  }
0xaf: {  	[dreg:$0x3] =	wrdreg s5  }
0xb0: {  	[dreg:$0x4] =	wrdreg $0xC0  }
0xb1: {  	_ =	task [dreg:s7], $0x5FFFF  }
0xb2: {  	[dreg:$0x1] =	wrdreg $0xFFFFFFFF  }
0xb3: {  	[dreg:$0x0] =	wrdreg $0x60  }
0xb4: {  	[dreg:$0x2] =	wrdreg s16  }
0xb5: {  	[dreg:$0x3] =	wrdreg s24  }
0xb6: {  	[dreg:$0x4] =	wrdreg $0x55800  }
0xb7: {  	[dreg:$0x5] =	wrdreg $0x9  }
0xb8: {  	_ =	task.clear_ibuf [dreg:s7], $0x6FFFF;
	_ =	strace $0x90000046  }
0xb9: {  	s29 =	simm.s32 $0x9;
	_ =	strace $0x80000048  }
0xba: {  	_ =	swait.ge [sflag:s29], $0x1  }
0xbb: {  	[sflag:s29] =	ssyncadd.s32 $0xFFFFFFFF  }
0xbc: {  	_ =	strace $0x90000048  }
0xbd: {  	_ =	sfence  }
0xbe: {  	s30 =	sld [smem:$0x0];
	_ =	sdelay $0x2  }
0xbf: {  	s31 =	sshll.u32 s1, $0xD;
	s1 =	sshrl.u32 s1, $0x2  }
0xc0: {  	s3 =	sand.u32 $0x4000, s31;
	s1 =	sadd.s32 s1, s30  }
0xc1: {  	s0 =	sor.u32 s3, s0;
	s1 =	sshll.u32 s1, $0x11  }
0xc2: {  	s0 =	sor.u32 s1, s0  }
0xc3: {  	s0 =	sadd.s32 $0x8F2B, s0  }
0xc4: {  	[sflag:s0] =	ssyncadd.remote.s32 $0x1  }
0xc5: {  	_ =	sfence.sel $0xFFFF  }
0xc6: {  	[dreg:$0x0] =	wrdreg $0xFFFFFFFF;
	(pc) =	sbr.abs _section_cstart, $3  }
0xc7: {  	[dreg:$0x1] =	wrdreg $0xFFFFFFFF  }
0xc8: {  	_ =	task.clear_ibuf [dreg:s7], $0x2FFFF;
	_ =	strace $0x9FFFFFFF  }
0xc9: {  	(tm) =	ssettm $0x7FFFFFFF  }
tec
execute0_lowered:
.L_overlay_start_1:
0x0: {  	(tag) =	ssettag $0x1  }
0x1: {  	s4 =	rddreg [dreg:$0x0]  }
0x2: {  	s5 =	rddreg [dreg:$0x1]  }
0x3: {  	s2 =	rddreg [dreg:$0x2];
	s3 =	srdreg.scid  }
0x4: {  	s1 =	stileid.u32;
	s0 =	rddreg [dreg:$0x3];
	s11 =	simm.s32 $0x5000  }
0x5: {  	s12 =	simm.s32 $0x5300;
	s6 =	sand.u32 $0x1, s3;
	s7 =	smul.u32 $0x280, s1  }
0x6: {  	s3 =	simm.s32 $0x0;
	s8 =	smul.u32 $0x2800, s6;
	s9 =	sshll.u32 s6, $0x4  }
0x7: {  	s13 =	simm.s32 $0x0;
	[smem:$0x7FF] =	sst s3;
	s9 =	sor.u32 s1, s9  }
0x8: {  	s6 =	ssub.s32 $0x2, s6;
	s8 =	sadd.s32 s7, s8;
	s9 =	smul.u32 $0xA00, s9  }
0x9: {  	_ =	strace $0x80000047;
	s10 =	sshrl.u32 s6, $0x1;
	s8 =	sshrl.u32 s8, $0x3  }
0xa: {  	s10 =	ssub.s32 s6, s10;
	s8 =	sadd.s32 s8, s5;
	s4 =	sadd.s32 s4, s9  }
0xb: {  	s5 =	sadd.s32 s7, s2;
	s7 =	smax.u32 s10, $0x1;
	s9 =	simm.s32 $0x5080  }
0xc: {  	v0 =	vimm.f32 $1.000000000e+00;
	v1 =	vimm.f32 $0.0e+00;
	s10 =	simm.s32 $0x80;
	s6 =	sadd.s32 $0x15A00, s8;
	s8 =	simm.s32 $0x1  }
.LBB2_1:
0xd: {  	[tilespmem:$0x5000] =	vst v0  }
0xe: {  	[tilespmem:$0x5010] =	vst v0  }
0xf: {  	[tilespmem:$0x5020] =	vst v0  }
0x10: {  	[tilespmem:$0x5030] =	vst v0  }
0x11: {  	[tilespmem:$0x5040] =	vst v0  }
0x12: {  	[tilespmem:$0x5050] =	vst v0  }
0x13: {  	[tilespmem:$0x5060] =	vst v0  }
0x14: {  	[tilespmem:$0x5070] =	vst v0  }
0x15: {  	[tilespmem:$0x5080] =	vst v1  }
0x16: {  	[tilespmem:$0x5090] =	vst v1  }
0x17: {  	[tilespmem:$0x50A0] =	vst v1  }
0x18: {  	[tilespmem:$0x50B0] =	vst v1  }
0x19: {  	[tilespmem:$0x50C0] =	vst v1  }
0x1a: {  	[tilespmem:$0x50D0] =	vst v1  }
0x1b: {  	[tilespmem:$0x50E0] =	vst v1  }
0x1c: {  	[tilespmem:$0x50F0] =	vst v1  }
0x1d: {  	[tilespmem:$0x5100] =	vst v1  }
0x1e: {  	[tilespmem:$0x5110] =	vst v1  }
0x1f: {  	[tilespmem:$0x5120] =	vst v1  }
0x20: {  	[tilespmem:$0x5130] =	vst v1  }
0x21: {  	[tilespmem:$0x5140] =	vst v1  }
0x22: {  	[tilespmem:$0x5150] =	vst v1  }
0x23: {  	[tilespmem:$0x5160] =	vst v1  }
0x24: {  	[tilespmem:$0x5170] =	vst v1  }
0x25: {  	[tilespmem:$0x5180] =	vst v1  }
0x26: {  	[tilespmem:$0x5190] =	vst v1  }
0x27: {  	[tilespmem:$0x51A0] =	vst v1  }
0x28: {  	[tilespmem:$0x51B0] =	vst v1  }
0x29: {  	[tilespmem:$0x51C0] =	vst v1  }
0x2a: {  	[tilespmem:$0x51D0] =	vst v1  }
0x2b: {  	[tilespmem:$0x51E0] =	vst v1  }
0x2c: {  	[tilespmem:$0x51F0] =	vst v1  }
0x2d: {  	[tilespmem:$0x5200] =	vst v1  }
0x2e: {  	[tilespmem:$0x5210] =	vst v1  }
0x2f: {  	[tilespmem:$0x5220] =	vst v1  }
0x30: {  	[tilespmem:$0x5230] =	vst v1  }
0x31: {  	[tilespmem:$0x5240] =	vst v1  }
0x32: {  	[tilespmem:$0x5250] =	vst v1  }
0x33: {  	[tilespmem:$0x5260] =	vst v1  }
0x34: {  	[tilespmem:$0x5270] =	vst v1  }
0x35: {  	[tilespmem:$0x5280] =	vst v1  }
0x36: {  	[tilespmem:$0x5290] =	vst v1  }
0x37: {  	[tilespmem:$0x52A0] =	vst v1  }
0x38: {  	[tilespmem:$0x52B0] =	vst v1  }
0x39: {  	[tilespmem:$0x52C0] =	vst v1  }
0x3a: {  	[tilespmem:$0x52D0] =	vst v1  }
0x3b: {  	[tilespmem:$0x52E0] =	vst v1  }
0x3c: {  	[tilespmem:$0x52F0] =	vst v1  }
0x3d: {  	[tilespmem:s3], [sflag:$0x1] =	stream.linear.gather [hbm4b:s4+s3], $0x5000, $0x38;
	[tilespmem:$0x5800] =	vst v63  }
0x3e: {  	_ =	swait.ge [sflag:s8], $0x5000  }
0x3f: {  	[sflag:s8] =	ssyncset.done $0x0  }
0x40: {  	[sflag:s8] =	ssyncadd.s32 $0xFFFFB000  }
0x41: {  	[spmem:s5] =	stream.linear.scatter [tilespmem:s9], [sflag:$0x1], $0x280, $0x38;
	[tilespmem:$0x5800] =	vst v63  }
0x42: {  	_ =	swait.ge [sflag:s8], $0x280  }
0x43: {  	[sflag:s8] =	ssyncset.done $0x0  }
0x44: {  	[sflag:s8] =	ssyncadd.s32 $0xFFFFFD80  }
0x45: {  	s14 =	simm.s32 $0x0;
	[bflag:$0x0] =	sbarrier.arrive $0xFFFF  }
0x46: {  	[spmem:s2] =	stream.indirect.scatter.add.f32 [tilespmem:s11], [sflag:$0x1], $0x1, s14, s10, $0xb8;
	[tilespmem:$0x5800] =	vst v63  }
0x47: {  	_ =	swait.ge [sflag:s8], $0x80  }
0x48: {  	s14 =	simm.s32 $0x200;
	[sflag:s8] =	ssyncset.done $0x0  }
.LBB2_2:
0x49: {  	s15 =	sshra.s32 s14, $0x2;
	[sflag:s8] =	ssyncadd.s32 $0xFFFFFF80;
	p0 =	sne.s32 s14, $0x13E00  }
0x4a: {  	[spmem:s2] =	stream.indirect.scatter.add.f32 [tilespmem:s11], [sflag:$0x1], $0x1, s15, s10, $0xb8;
	[tilespmem:$0x5800] =	vst v63  }
.Ltmp0:
0x4b: {  	_ = 	snop;
	(pc) =	sbr.rel @p0 .LBB2_2-.Ltmp0, $4  }
0x4c: {  	_ = 	snop  }
0x4d: {  	s14 =	sadd.s32 $0x200, s14  }
0x4e: {  	_ =	swait.ge [sflag:s8], $0x80  }
0x4f: {  	[sflag:s8] =	ssyncset.done $0x0  }
0x50: {  	[sflag:s8] =	ssyncadd.s32 $0xFFFFFF80  }
0x51: {  	[bflag:$0x0] =	sbarrier.arrive $0xFFFF  }
0x52: {  	[tilespmem:s12], [sflag:$0x1] =	stream.linear.gather [spmem:s5], $0x280, $0x38;
	[tilespmem:$0x5800] =	vst v63  }
0x53: {  	s13 =	sadd.s32 $0x1, s13;
	_ =	swait.ge [sflag:s8], $0x280  }
0x54: {  	p0 =	sne.s32 s13, s7;
	[sflag:s8] =	ssyncset.done $0x0  }
.Ltmp1:
0x55: {  	[sflag:s8] =	ssyncadd.s32 $0xFFFFFD80;
	(pc) =	sbr.rel @p0 .LBB2_1-.Ltmp1, $4  }
0x56: {  	[hbm4b:s6+s3] =	stream.linear.scatter [tilespmem:s12], [sflag:$0x1], $0x280, $0x38;
	[tilespmem:$0x5800] =	vst v63  }
0x57: {  	_ =	swait.ge [sflag:s8], $0x280  }
0x58: {  	[sflag:s8] =	ssyncset.done $0x0  }
0x59: {  	[sflag:s8] =	ssyncadd.s32 $0xFFFFFD80  }
0x5a: {  	_ =	sfence.sel $0x180000  }
0x5b: {  	[bflag:$0x0] =	sbarrier.arrive $0xFFFF  }
0x5c: {  	p0 =	sne.s32 s1, $0x0;
	_ =	strace $0x90000047  }
0x5d: {  	s0 =	sadd.s32 @!p0 $0x100000, s0;
	[bflag:$0x2] =	sbarrier.arrive $0xFFFF  }
0x5e: {  	[sflag:s0] =	ssyncadd.tile.s32 @!p0 $0x1;
	_ =	shalt  }
.Lfunc_end2:
_tile_overlayer_lowered:
.L_overlay_start_2:
0x5f: {  	(tag) =	ssettag $0x2  }
0x60: {  	s0 =	rddreg [dreg:$0x0];
	s2 =	stileid.u32  }
0x61: {  	s1 =	rddreg [dreg:$0x1];
	p0 =	sne.s32 s2, $0x0  }
0x62: {  	s3 =	rddreg [dreg:$0x2];
	[bflag:$0x3] =	sbarrier.arrive $0xFFFF;
	s2 =	simm.s32 @!p0 $0x1C01  }
0x63: {  	[timem:s3], [sflag:s2] =	dma.local @!p0 [hbm:s0], s1  }
0x64: {  	s0 =	simm.s32 @!p0 $0x1  }
0x65: {  	_ =	swait.ge @!p0 [sflag:s0], s1  }
0x66: {  	s1 =	ssub.s32 @!p0 $0x0, s1;
	[sflag:s0] =	ssyncset.done @!p0 $0x0  }
0x67: {  	[sflag:s0] =	ssyncadd.s32 @!p0 s1  }
0x68: {  	[bflag:$0x3] =	sbarrier.arrive $0xFFFF  }
0x69: {  	_ =	shalt  }

// kernel: kernel.9.cloned.1.call-start
scs
__scs_entry_jumppad:
0x0: {  	(pc) =	sbr.rel $0x88, $3  }
0x1: {  	(tag) =	ssettag $0x0;
	lr =	simm.s32 $0x1  }
0x2: {  	[smem:$0x3F9C] =	sst lr;
	_ =	strace $0xD0000000  }
0x3: {  	_ = 	snop  }
0x4: {  	_ = 	snop  }
0x5: {  	_ = 	snop  }
0x6: {  	_ = 	snop  }
0x7: {  	_ = 	snop  }
__scs_overlays_trampoline_lowered:
0x8: {  	[smem:$0x3FAB] =	sst s0  }
0x9: {  	[smem:$0x3FAC] =	sst s1  }
0xa: {  	[smem:$0x3FAD] =	sst s2  }
0xb: {  	[smem:$0x3FAE] =	sst s3  }
0xc: {  	[smem:$0x3FAF] =	sst s4  }
0xd: {  	[smem:$0x3FB0] =	sst s5  }
0xe: {  	[smem:$0x3FB1] =	sst s6  }
0xf: {  	[smem:$0x3FB2] =	sst s7  }
0x10: {  	[smem:$0x3FB3] =	sst s8  }
0x11: {  	[smem:$0x3FB4] =	sst s9;
	s0 =	simm.s32 @!p0 $0x0  }
0x12: {  	s1 =	sld [smem:$0x3F9A];
	s0 =	simm.s32 @p0 $0x1  }
0x13: {  	[smem:$0x3FB5] =	sst s0;
	s0 =	simm.s32 @!p1 $0x0  }
0x14: {  	s2 =	sld [smem:$0x3F99];
	s0 =	simm.s32 @p1 $0x1  }
0x15: {  	[smem:$0x3FB6] =	sst s0;
	s0 =	simm.s32 @!p2 $0x0  }
0x16: {  	s3 =	sld [smem:$0x3FDB];
	s0 =	simm.s32 @p2 $0x1  }
0x17: {  	s4 =	simm.s32 $0x1BF5;
	[smem:$0x3FB8] =	sst s0  }
0x18: {  	s0 =	sld [smem:$0x3F9B];
	_ =	swait.ge [sflag:s4], $0x0  }
0x19: {  	s7 =	sld [smem:$0x3F9C]  }
0x1a: {  	s8 =	sadd.s32 $0xFFFFE003, lr  }
0x1b: {  	s9 =	sadd.s32 $0xFFFFFEF7, lr;
	s5 =	simm.s32 $0xFFFFFFFF;
	p2 =	slt.u32 s8, $0xFFFFF086  }
0x1c: {  	p1 =	slt.u32 s9, $0xF7A;
	s5 =	simm.s32 @!p2 $0x0  }
0x1d: {  	s5 =	simm.s32 @p1 $0x1;
	p0 =	seq.s32 s7, s2  }
0x1e: {  	s7 =	smul.u32 @!p0 $0xF7A, s2;
	p2 =	seq.s32 @!p0 s5, $0x0  }
0x1f: {  	s9 =	smul.u32 $0xF7A, s1;
	s8 =	simm.s32 @!p0 $0x1BF5;
	p2 =	por !p2, p0  }
0x20: {  	[sflag:s8] =	ssyncset.s32 @!p0 $0xFFFFF086;
	s6 =	sadd.s32 @!p0 s3, s7;
	s7 =	simm.s32 @!p0 $0x108  }
0x21: {  	s3 =	sadd.s32 s3, s9;
	s6 =	sadd.s32 @!p0 $0x88, s6;
	s7 =	simm.s32 @p2 $0x1082  }
0x22: {  	[simem:s7], [sflag:s8] =	dma.local @!p0 [hbm:s6], $0xF7A  }
0x23: {  	s9 =	sor.u32 $0xD0000000, s2;
	s6 =	simm.s32 $0x108;
	_ =	swait.ge @!p0 [sflag:s8], $0x0  }
0x24: {  	s3 =	sadd.s32 $0x88, s3;
	s6 =	simm.s32 @!p1 $0x1082;
	[sflag:s4] =	ssyncset.s32 $0xFFFFF086  }
0x25: {  	[simem:s6], [sflag:s4] =	dma.local [hbm:s3], $0xF7A  }
0x26: {  	[smem:$0x3F9C] =	sst s1;
	(tag) =	ssettag s2;
	_ =	strace s9  }
0x27: {  	s1 =	sld [smem:$0x3FAC]  }
0x28: {  	s2 =	sld [smem:$0x3FAD]  }
0x29: {  	s4 =	sld [smem:$0x3FAF]  }
0x2a: {  	p0 =	seq.s32 s5, $0x0;
	s5 =	sld [smem:$0x3FB0]  }
0x2b: {  	s6 =	sld [smem:$0x3FB1]  }
0x2c: {  	s7 =	sld [smem:$0x3FB2]  }
0x2d: {  	s3 =	simm.s32 $0x108;
	s8 =	sld [smem:$0x3FB3]  }
0x2e: {  	s3 =	simm.s32 @!p0 $0x1082;
	s9 =	sld [smem:$0x3FB4]  }
0x2f: {  	lr =	sadd.s32 s0, s3;
	s0 =	sld [smem:$0x3FAB]  }
0x30: {  	s3 =	sld [smem:$0x3FAE]  }
0x31: {  	[smem:$0x3FB7] =	sst s10  }
0x32: {  	s10 =	sld [smem:$0x3FB5];
	_ =	sdelay $0x3  }
0x33: {  	p0 =	seq.s32 s10, $0x1;
	s10 =	sld [smem:$0x3FB7];
	_ =	sdelay $0x3  }
0x34: {  	[smem:$0x3FB7] =	sst s10  }
0x35: {  	s10 =	sld [smem:$0x3FB6];
	_ =	sdelay $0x3  }
0x36: {  	p1 =	seq.s32 s10, $0x1;
	s10 =	sld [smem:$0x3FB7];
	_ =	sdelay $0x3  }
0x37: {  	[smem:$0x3FB7] =	sst s10  }
0x38: {  	s10 =	sld [smem:$0x3FB8]  }
0x39: {  	_ = 	snop;
	(pc) =	sbr.ind lr, $3  }
0x3a: {  	_ = 	snop  }
0x3b: {  	_ = 	snop  }
0x3c: {  	p2 =	seq.s32 s10, $0x1;
	s10 =	sld [smem:$0x3FB7]  }
0x3d: {  	_ =	shalt  }
0x3e: {  	_ =	shalt  }
0x3f: {  	_ =	shalt  }
0x40: {  	_ =	shalt  }
0x41: {  	_ =	shalt  }
0x42: {  	_ =	shalt  }
0x43: {  	_ =	shalt  }
0x44: {  	_ =	shalt  }
0x45: {  	_ =	shalt  }
0x46: {  	_ =	shalt  }
0x47: {  	_ =	shalt  }
0x48: {  	_ =	shalt  }
0x49: {  	_ =	shalt  }
0x4a: {  	_ =	shalt  }
0x4b: {  	_ =	shalt  }
0x4c: {  	_ =	shalt  }
0x4d: {  	_ =	shalt  }
0x4e: {  	_ =	shalt  }
0x4f: {  	_ =	shalt  }
0x50: {  	_ =	shalt  }
0x51: {  	_ =	shalt  }
0x52: {  	_ =	shalt  }
0x53: {  	_ =	shalt  }
0x54: {  	_ =	shalt  }
0x55: {  	_ =	shalt  }
0x56: {  	_ =	shalt  }
0x57: {  	_ =	shalt  }
0x58: {  	_ =	shalt  }
0x59: {  	_ =	shalt  }
0x5a: {  	_ =	shalt  }
0x5b: {  	_ =	shalt  }
0x5c: {  	_ =	shalt  }
0x5d: {  	_ =	shalt  }
0x5e: {  	_ =	shalt  }
0x5f: {  	_ =	shalt  }
0x60: {  	_ =	shalt  }
0x61: {  	_ =	shalt  }
0x62: {  	_ =	shalt  }
0x63: {  	_ =	shalt  }
0x64: {  	_ =	shalt  }
0x65: {  	_ =	shalt  }
0x66: {  	_ =	shalt  }
0x67: {  	_ =	shalt  }
0x68: {  	_ =	shalt  }
0x69: {  	_ =	shalt  }
0x6a: {  	_ =	shalt  }
0x6b: {  	_ =	shalt  }
0x6c: {  	_ =	shalt  }
0x6d: {  	_ =	shalt  }
0x6e: {  	_ =	shalt  }
0x6f: {  	_ =	shalt  }
0x70: {  	_ =	shalt  }
0x71: {  	_ =	shalt  }
0x72: {  	_ =	shalt  }
0x73: {  	_ =	shalt  }
0x74: {  	_ =	shalt  }
0x75: {  	_ =	shalt  }
0x76: {  	_ =	shalt  }
0x77: {  	_ =	shalt  }
0x78: {  	_ =	shalt  }
0x79: {  	_ =	shalt  }
0x7a: {  	_ =	shalt  }
0x7b: {  	_ =	shalt  }
0x7c: {  	_ =	shalt  }
0x7d: {  	_ =	shalt  }
0x7e: {  	_ =	shalt  }
0x7f: {  	_ =	shalt  }
0x80: {  	_ =	shalt  }
0x81: {  	_ =	shalt  }
0x82: {  	_ =	shalt  }
0x83: {  	_ =	shalt  }
0x84: {  	_ =	shalt  }
0x85: {  	_ =	shalt  }
0x86: {  	_ =	shalt  }
0x87: {  	_ =	shalt  }
.Lfunc_end0:
.L_simem_size_0:
called_computation.1_lowered:
.L_overlay_start_0:
0x88: {  	s2 =	sld [smem:$0x3FD9]  }
0x89: {  	s3 =	sld [smem:$0x3FFE];
	_ =	sdelay $0x1  }
0x8a: {  	s1 =	srdreg.scid  }
0x8b: {  	s0 =	sand.u32 $0x1, s1  }
0x8c: {  	s14 =	sshll.u32 s0, $0xA;
	s2 =	sadd.s32 s3, s2  }
0x8d: {  	s2 =	sadd.s32 s2, s14  }
0x8e: {  	[smem:$0x3FC3] =	sst s2  }
0x8f: {  	_ = 	snop  }
0x90: {  	s2 =	sld [smem:$0x3FD0];
	_ =	sdelay $0x2  }
0x91: {  	s15 =	simm.s32 $0xA;
	s4 =	simm.s32 $0x10  }
0x92: {  	[smem:s4], [sflag:s15] =	dma.local [hbm:s2], $0x1  }
0x93: {  	_ =	swait.eq [sflag:s15], $0x1  }
0x94: {  	[sflag:s15] =	ssyncset.done $0x0  }
0x95: {  	s16 =	sld [smem:$0x10];
	[sflag:s15] =	ssyncadd.s32 $0xFFFFFFFF  }
0x96: {  	s17 =	sld [smem:$0x11];
	(tm) =	ssettm $0x1  }
0x97: {  	s18 =	sld [smem:$0x3FFB];
	_ =	sdelay $0x3  }
0x98: {  	_ =	strace s18  }
0x99: {  	s4 =	sld [smem:$0x3FFC];
	_ =	sdelay $0x3  }
0x9a: {  	_ =	strace s4  }
0x9b: {  	s4 =	sld [smem:$0x3FFD];
	_ =	sdelay $0x3  }
0x9c: {  	_ =	strace s4  }
0x9d: {  	_ =	strace $0x8FFFFFFF  }
0x9e: {  	s19 =	sld [smem:$0x3FDB];
	_ =	sdelay $0x1  }
0x9f: {  	s5 =	simm.s32 $_scs_section_size  }
0xa0: {  	s6 =	simm.s32 $_size__tile_overlayer_lowered;
	s7 =	simm.s32 $_tile_overlayer_lowered  }
0xa1: {  	s22 =	simm.s32 $0x1BFF;
	s21 =	sshll.u32 s7, $0x1;
	s4 =	sadd.s32 s5, s19  }
0xa2: {  	s8 =	simm.s32 $0x0;
	s20 =	sshll.u32 s6, $0x1;
	s6 =	sadd.s32 s21, s4  }
0xa3: {  	[timem:s8], [sflag:s22] =	dma.local [hbm:s6], s20  }
0xa4: {  	_ =	swait.ge [sflag:s22], s20  }
0xa5: {  	s5 =	ssub.s32 $0x0, s20;
	[sflag:s22] =	ssyncset.done $0x0  }
0xa6: {  	[sflag:s22] =	ssyncadd.s32 s5;
	_ =	sdelay $0x1  }
0xa7: {  	s23 =	simm.s32 $0x1B8B  }
0xa8: {  	_ =	swait.ge [sflag:s23], $0x1  }
0xa9: {  	[sflag:s23] =	ssyncset.done $0x0  }
0xaa: {  	s25 =	simm.s32 $0x1B8E;
	s24 =	sld [smem:$0x3FFE];
	[sflag:s23] =	ssyncadd.s32 $0xFFFFFFFF  }
0xab: {  	s26 =	simm.s32 $execute0_lowered;
	[smem:$0x3FD2] =	sst s25  }
0xac: {  	s6 =	sshll.u32 s26, $0x1;
	_ =	strace $0x80000049;
	[dreg:$0x1] =	wrdreg $0xFFFFFFFF  }
0xad: {  	s28 =	simm.s32 $_size_execute0_lowered;
	s4 =	sadd.s32 s4, s6;
	[dreg:$0x0] =	wrdreg $0x0  }
0xae: {  	s6 =	sshll.u32 s28, $0x1;
	[dreg:$0x2] =	wrdreg s4  }
0xaf: {  	[dreg:$0x3] =	wrdreg s6  }
0xb0: {  	[dreg:$0x4] =	wrdreg $0xC0  }
0xb1: {  	_ =	task [dreg:s8], $0x5FFFF  }
0xb2: {  	[dreg:$0x1] =	wrdreg $0xFFFFFFFF  }
0xb3: {  	[dreg:$0x0] =	wrdreg $0x60  }
0xb4: {  	[dreg:$0x2] =	wrdreg s24  }
0xb5: {  	[dreg:$0x3] =	wrdreg s16  }
0xb6: {  	[dreg:$0x4] =	wrdreg s17  }
0xb7: {  	[dreg:$0x5] =	wrdreg $0xA0000  }
0xb8: {  	[dreg:$0x6] =	wrdreg $0x9  }
0xb9: {  	_ =	task.clear_ibuf [dreg:s8], $0x7FFFF;
	_ =	strace $0x90000049  }
0xba: {  	s29 =	simm.s32 $0x9;
	_ =	strace $0x8000004B  }
0xbb: {  	_ =	swait.ge [sflag:s29], $0x1  }
0xbc: {  	[sflag:s29] =	ssyncadd.s32 $0xFFFFFFFF  }
0xbd: {  	_ =	strace $0x9000004B  }
0xbe: {  	_ =	sfence  }
0xbf: {  	s30 =	sld [smem:$0x0];
	_ =	sdelay $0x2  }
0xc0: {  	s31 =	sshll.u32 s1, $0xD;
	s1 =	sshrl.u32 s1, $0x2  }
0xc1: {  	s3 =	sand.u32 $0x4000, s31;
	s1 =	sadd.s32 s1, s30  }
0xc2: {  	s0 =	sor.u32 s3, s0;
	s1 =	sshll.u32 s1, $0x11  }
0xc3: {  	s0 =	sor.u32 s1, s0  }
0xc4: {  	s0 =	sadd.s32 $0x8F2B, s0  }
0xc5: {  	[sflag:s0] =	ssyncadd.remote.s32 $0x1  }
0xc6: {  	_ =	sfence.sel $0xFFFF  }
0xc7: {  	[dreg:$0x0] =	wrdreg $0xFFFFFFFF;
	(pc) =	sbr.abs _section_cstart, $3  }
0xc8: {  	[dreg:$0x1] =	wrdreg $0xFFFFFFFF  }
0xc9: {  	_ =	task.clear_ibuf [dreg:s8], $0x2FFFF;
	_ =	strace $0x9FFFFFFF  }
0xca: {  	(tm) =	ssettm $0x7FFFFFFF  }
0xcb: {  	_ =	shalt  }
tec
execute0_lowered:
.L_overlay_start_1:
0x0: {  	(tag) =	ssettag $0x1  }
0x1: {  	s0 =	rddreg [dreg:$0x0]  }
0x2: {  	s15 =	rddreg [dreg:$0x1]  }
0x3: {  	s3 =	rddreg [dreg:$0x3];
	s4 =	simm.s32 $0x0  }
0x4: {  	s1 =	srdreg.scid;
	s14 =	stileid.u32;
	s28 =	simm.s32 $0x4  }
0x5: {  	s30 =	simm.s32 $0x800;
	s31 =	simm.s32 $0x1800;
	s29 =	simm.s32 $0xF80  }
0x6: {  	[smem:$0x7FF] =	sst s4;
	s6 =	sadd.s32 $0x15A00, s0;
	s5 =	smul.u32 $0x50000, s14  }
0x7: {  	s7 =	sadd.s32 $0x1A00, s0;
	s1 =	sand.u32 $0x1, s1;
	s20 =	smul.u32 $0x14000, s14  }
0x8: {  	s0 =	sadd.s32 $0x63C00, s0;
	_ =	strace $0x8000004A;
	s12 =	smul.u32 $0x50000, s1  }
0x9: {  	s2 =	ssub.s32 $0x2, s1;
	s9 =	sshll.u32 s1, $0x4;
	s1 =	smul.u32 $0x140000, s1  }
0xa: {  	s8 =	sshrl.u32 s2, $0x1;
	s21 =	sor.u32 s14, s9;
	s5 =	sshrl.u32 s5, $0x2  }
0xb: {  	s22 =	sadd.s32 $0x4000, s20;
	s24 =	sadd.s32 $0x8000, s20;
	s11 =	sadd.s32 $0xC000, s20  }
0xc: {  	s13 =	sadd.s32 $0x10000, s20;
	s14 =	smul.u32 $0x5000, s14;
	s2 =	ssub.s32 s2, s8  }
0xd: {  	s8 =	smul.u32 $0x5000, s21;
	s16 =	sadd.s32 s5, s3;
	s23 =	sadd.s32 s22, s3  }
0xe: {  	s18 =	sadd.s32 s24, s3;
	s19 =	sadd.s32 s11, s3;
	s10 =	sadd.s32 s13, s3  }
0xf: {  	s17 =	sadd.s32 s20, s1;
	s5 =	sadd.s32 s1, s22;
	s9 =	sadd.s32 s1, s24  }
0x10: {  	s22 =	sadd.s32 s1, s11;
	s1 =	sadd.s32 s1, s13;
	s13 =	simm.s32 $0xD80  }
0x11: {  	[dreg:$0x6] =	wrdreg s23;
	s12 =	sadd.s32 s14, s12;
	s5 =	sshrl.u32 s5, $0x3  }
0x12: {  	s20 =	sshrl.u32 s9, $0x3;
	s11 =	smov.u32 s18;
	s1 =	sshrl.u32 s1, $0x3  }
0x13: {  	s14 =	simm.s32 $0x2;
	s9 =	simm.s32 $0x3;
	s18 =	simm.s32 $0xE80  }
0x14: {  	[dreg:$0x9] =	wrdreg s10;
	s8 =	sshrl.u32 s8, $0x3;
	s5 =	sadd.s32 s0, s5  }
0x15: {  	s23 =	sadd.s32 $0x1800, s12;
	[dreg:$0x7] =	wrdreg s11;
	s21 =	sadd.s32 s15, s8  }
0x16: {  	s25 =	sadd.s32 s7, s8;
	s8 =	sor.u32 $0x100, s8;
	[dreg:$0xf] =	wrdreg s5  }
0x17: {  	s5 =	sshrl.u32 s22, $0x3;
	s24 =	sshrl.u32 s23, $0x3;
	[dreg:$0xa] =	wrdreg s21  }
0x18: {  	s22 =	simm.s32 $0x1F00;
	[dreg:$0xb] =	wrdreg s25;
	s26 =	sadd.s32 s15, s8  }
0x19: {  	s8 =	sadd.s32 s7, s8;
	s21 =	sadd.s32 s0, s20;
	[dreg:$0xc] =	wrdreg s26  }
0x1a: {  	s5 =	sadd.s32 s0, s5;
	s25 =	smax.u32 s2, $0x1;
	[dreg:$0xd] =	wrdreg s8  }
0x1b: {  	s23 =	sadd.s32 s24, s7;
	s24 =	sadd.s32 s24, s15;
	[dreg:$0x10] =	wrdreg s21  }
0x1c: {  	s2 =	simm.s32 $0x1;
	s15 =	simm.s32 $0x1D00;
	[dreg:$0x11] =	wrdreg s5  }
0x1d: {  	s20 =	simm.s32 $0xF00;
	s8 =	sshrl.u32 s17, $0x3;
	[dreg:$0x13] =	wrdreg s25  }
0x1e: {  	s26 =	sadd.s32 $0x1000, s12;
	s12 =	smov.u32 s19;
	s5 =	simm.s32 $0x6000  }
0x1f: {  	s17 =	simm.s32 $0x1D80;
	s19 =	simm.s32 $0x1E00;
	[dreg:$0x14] =	wrdreg s26  }
.Ltmp0:
0x20: {  	s8 =	sadd.s32 s0, s8;
	[dreg:$0x8] =	wrdreg s12;
	(pc) =	sbr.rel .LBB2_1-.Ltmp0, $4  }
0x21: {  	s21 =	simm.s32 $0x1E80;
	s0 =	sadd.s32 s0, s1;
	[dreg:$0xe] =	wrdreg s8  }
0x22: {  	s25 =	simm.s32 $0x1F80;
	s1 =	simm.s32 $0x0;
	[dreg:$0x12] =	wrdreg s0  }
0x23: {  	s26 =	simm.s32 $0x2000;
	s8 =	smov.u32 s16;
	[dreg:$0x15] =	wrdreg s1  }
0x24: {  	s0 =	simm.s32 $0x80;
	s16 =	simm.s32 $0xE00;
	[dreg:$0x5] =	wrdreg s8  }
.LBB2_4:
0x25: {  	_ =	swait.ge [sflag:s14], $0x4000  }
0x26: {  	[sflag:s14] =	ssyncset.done $0x0  }
0x27: {  	[sflag:s14] =	ssyncadd.s32 $0xFFFFC000  }
0x28: {  	[spmem:s3] =	stream.indirect.scatter.add.f32 [tilespmem:s5], [sflag:$0x4], $0x80, s25, s0, $0xb8;
	[tilespmem:$0x1E000] =	vst v63  }
0x29: {  	_ =	swait.ge [sflag:s28], $0x4000  }
0x2a: {  	[sflag:s28] =	ssyncset.done $0x0  }
0x2b: {  	[sflag:s28] =	ssyncadd.s32 $0xFFFFC000  }
0x2c: {  	[bflag:$0x0] =	sbarrier.arrive $0xFFFF  }
0x2d: {  	s8 =	rddreg [dreg:$0x5]  }
0x2e: {  	[tilespmem:s26], [sflag:$0x4] =	stream.linear.gather [spmem:s8], $0x4000, $0x38;
	[tilespmem:$0x1E000] =	vst v63  }
0x2f: {  	_ =	swait.ge [sflag:s28], $0x4000  }
0x30: {  	[sflag:s28] =	ssyncset.done $0x0  }
0x31: {  	s1 =	rddreg [dreg:$0xe];
	[sflag:s28] =	ssyncadd.s32 $0xFFFFC000  }
0x32: {  	[hbm4b:s1+s4] =	stream.linear.scatter [tilespmem:s26], [sflag:$0x4], $0x4000, $0x38;
	[tilespmem:$0x1E000] =	vst v63  }
0x33: {  	_ =	swait.ge [sflag:s28], $0x4000  }
0x34: {  	[sflag:s28] =	ssyncset.done $0x0  }
0x35: {  	s11 =	rddreg [dreg:$0x6];
	[sflag:s28] =	ssyncadd.s32 $0xFFFFC000  }
0x36: {  	[tilespmem:s26], [sflag:$0x4] =	stream.linear.gather [spmem:s11], $0x4000, $0x38;
	[tilespmem:$0x1E000] =	vst v63  }
0x37: {  	_ =	swait.ge [sflag:s28], $0x4000  }
0x38: {  	[sflag:s28] =	ssyncset.done $0x0  }
0x39: {  	s12 =	rddreg [dreg:$0xf];
	[sflag:s28] =	ssyncadd.s32 $0xFFFFC000  }
0x3a: {  	[hbm4b:s12+s4] =	stream.linear.scatter [tilespmem:s26], [sflag:$0x4], $0x4000, $0x38;
	[tilespmem:$0x1E000] =	vst v63  }
0x3b: {  	_ =	swait.ge [sflag:s28], $0x4000  }
0x3c: {  	[sflag:s28] =	ssyncset.done $0x0  }
0x3d: {  	s11 =	rddreg [dreg:$0x7];
	[sflag:s28] =	ssyncadd.s32 $0xFFFFC000  }
0x3e: {  	[tilespmem:s26], [sflag:$0x4] =	stream.linear.gather [spmem:s11], $0x4000, $0x38;
	[tilespmem:$0x1E000] =	vst v63  }
0x3f: {  	_ =	swait.ge [sflag:s28], $0x4000  }
0x40: {  	[sflag:s28] =	ssyncset.done $0x0  }
0x41: {  	s13 =	rddreg [dreg:$0x10];
	[sflag:s28] =	ssyncadd.s32 $0xFFFFC000  }
0x42: {  	[hbm4b:s13+s4] =	stream.linear.scatter [tilespmem:s26], [sflag:$0x4], $0x4000, $0x38;
	[tilespmem:$0x1E000] =	vst v63  }
0x43: {  	_ =	swait.ge [sflag:s28], $0x4000  }
0x44: {  	[sflag:s28] =	ssyncset.done $0x0  }
0x45: {  	s12 =	rddreg [dreg:$0x8];
	[sflag:s28] =	ssyncadd.s32 $0xFFFFC000  }
0x46: {  	[tilespmem:s26], [sflag:$0x4] =	stream.linear.gather [spmem:s12], $0x4000, $0x38;
	[tilespmem:$0x1E000] =	vst v63  }
0x47: {  	_ =	swait.ge [sflag:s28], $0x4000  }
0x48: {  	[sflag:s28] =	ssyncset.done $0x0  }
0x49: {  	s10 =	rddreg [dreg:$0x11];
	[sflag:s28] =	ssyncadd.s32 $0xFFFFC000  }
0x4a: {  	[hbm4b:s10+s4] =	stream.linear.scatter [tilespmem:s26], [sflag:$0x4], $0x4000, $0x38;
	[tilespmem:$0x1E000] =	vst v63  }
0x4b: {  	_ =	swait.ge [sflag:s28], $0x4000  }
0x4c: {  	[sflag:s28] =	ssyncset.done $0x0  }
0x4d: {  	s10 =	rddreg [dreg:$0x9];
	[sflag:s28] =	ssyncadd.s32 $0xFFFFC000  }
0x4e: {  	[tilespmem:s26], [sflag:$0x4] =	stream.linear.gather [spmem:s10], $0x4000, $0x38;
	[tilespmem:$0x1E000] =	vst v63  }
0x4f: {  	_ =	swait.ge [sflag:s28], $0x4000  }
0x50: {  	[sflag:s28] =	ssyncset.done $0x0  }
0x51: {  	s13 =	rddreg [dreg:$0x12];
	[sflag:s28] =	ssyncadd.s32 $0xFFFFC000  }
0x52: {  	[hbm4b:s13+s4] =	stream.linear.scatter [tilespmem:s26], [sflag:$0x4], $0x4000, $0x38;
	[tilespmem:$0x1E000] =	vst v63  }
0x53: {  	_ =	swait.ge [sflag:s28], $0x4000  }
0x54: {  	s13 =	rddreg [dreg:$0x15]  }
0x55: {  	s1 =	rddreg [dreg:$0x13];
	s13 =	sadd.s32 $0x1, s13  }
0x56: {  	p0 =	sne.s32 s13, s1  }
.Ltmp1:
0x57: {  	_ = 	snop;
	(pc) =	sbr.rel @!p0 .LBB2_5-.Ltmp1, $3  }
0x58: {  	_ =	sdelay $0x1  }
0x59: {  	[sflag:s28] =	ssyncset.done $0x0  }
0x5a: {  	[sflag:s28] =	ssyncadd.s32 $0xFFFFC000;
	[dreg:$0x15] =	wrdreg s13;
	s13 =	simm.s32 $0xD80  }
.LBB2_1:
0x5b: {  	s1 =	rddreg [dreg:$0x2]  }
0x5c: {  	[tilespmem:s26], [sflag:$0x4] =	stream.linear.gather [hbm4b:s1+s4], $0x4000, $0x38;
	[tilespmem:$0x1E000] =	vst v63  }
0x5d: {  	_ =	swait.ge [sflag:s28], $0x4000  }
0x5e: {  	[sflag:s28] =	ssyncset.done $0x0  }
0x5f: {  	[sflag:s28] =	ssyncadd.s32 $0xFFFFC000  }
0x60: {  	[spmem:s8] =	stream.linear.scatter [tilespmem:s26], [sflag:$0x4], $0x4000, $0x38;
	[tilespmem:$0x1E000] =	vst v63  }
0x61: {  	_ =	swait.ge [sflag:s28], $0x4000  }
0x62: {  	[sflag:s28] =	ssyncset.done $0x0  }
0x63: {  	s8 =	rddreg [dreg:$0x6];
	[sflag:s28] =	ssyncadd.s32 $0xFFFFC000  }
0x64: {  	[spmem:s8] =	stream.linear.scatter [tilespmem:s26], [sflag:$0x4], $0x4000, $0x38;
	[tilespmem:$0x1E000] =	vst v63  }
0x65: {  	_ =	swait.ge [sflag:s28], $0x4000  }
0x66: {  	[sflag:s28] =	ssyncset.done $0x0  }
0x67: {  	[sflag:s28] =	ssyncadd.s32 $0xFFFFC000  }
0x68: {  	[spmem:s11] =	stream.linear.scatter [tilespmem:s26], [sflag:$0x4], $0x4000, $0x38;
	[tilespmem:$0x1E000] =	vst v63  }
0x69: {  	_ =	swait.ge [sflag:s28], $0x4000  }
0x6a: {  	[sflag:s28] =	ssyncset.done $0x0  }
0x6b: {  	[sflag:s28] =	ssyncadd.s32 $0xFFFFC000  }
0x6c: {  	[spmem:s12] =	stream.linear.scatter [tilespmem:s26], [sflag:$0x4], $0x4000, $0x38;
	[tilespmem:$0x1E000] =	vst v63  }
0x6d: {  	_ =	swait.ge [sflag:s28], $0x4000  }
0x6e: {  	[sflag:s28] =	ssyncset.done $0x0  }
0x6f: {  	[sflag:s28] =	ssyncadd.s32 $0xFFFFC000  }
0x70: {  	[spmem:s10] =	stream.linear.scatter [tilespmem:s26], [sflag:$0x4], $0x4000, $0x38;
	[tilespmem:$0x1E000] =	vst v63  }
0x71: {  	_ =	swait.ge [sflag:s28], $0x4000  }
0x72: {  	[sflag:s28] =	ssyncset.done $0x0  }
0x73: {  	[sflag:s28] =	ssyncadd.s32 $0xFFFFC000  }
0x74: {  	[bflag:$0x0] =	sbarrier.arrive $0xFFFF  }
0x75: {  	s12 =	rddreg [dreg:$0xa]  }
0x76: {  	[tilespmem:s4], [sflag:$0x4] =	stream.linear.gather [hbm4b:s12+s4], $0x800, $0x38;
	[tilespmem:$0x1E000] =	vst v63  }
0x77: {  	_ =	swait.ge [sflag:s28], $0x800  }
0x78: {  	[sflag:s28] =	ssyncset.done $0x0  }
0x79: {  	s10 =	simm.s32 $0x1000;
	s8 =	rddreg [dreg:$0xb];
	[sflag:s28] =	ssyncadd.s32 $0xFFFFF800  }
0x7a: {  	[tilespmem:s10], [sflag:$0x4] =	stream.linear.gather [hbm4b:s8+s4], $0x800, $0x38;
	[tilespmem:$0x1E000] =	vst v63  }
0x7b: {  	_ =	swait.ge [sflag:s28], $0x800  }
0x7c: {  	[sflag:s28] =	ssyncset.done $0x0  }
0x7d: {  	s11 =	rddreg [dreg:$0xc];
	[sflag:s28] =	ssyncadd.s32 $0xFFFFF800  }
0x7e: {  	[tilespmem:s30], [sflag:$0x3] =	stream.linear.gather [hbm4b:s11+s4], $0x800, $0x38;
	[tilespmem:$0x1E000] =	vst v63  }
0x7f: {  	s12 =	rddreg [dreg:$0xd]  }
0x80: {  	[tilespmem:s31], [sflag:$0x3] =	stream.linear.gather [hbm4b:s12+s4], $0x800, $0x38;
	[tilespmem:$0x1E000] =	vst v63  }
0x81: {  	_ = 	snop  }
0x82: {  	[tilespmem:s26], [sflag:$0x1] =	stream.indirect.gather [hbm4b:s6+s0], $0x80, s4, s0, $0xb8;
	[tilespmem:$0x1E000] =	vst v63  }
0x83: {  	s10 =	simm.s32 $0x0;
	s8 =	rddreg [dreg:$0x14]  }
0x84: {  	[tilespmem:s5], [sflag:$0x2] =	stream.indirect.gather [hbm4b:s6+s0], $0x80, s0, s0, $0xb8;
	[tilespmem:$0x1E000] =	vst v63  }
.LBB2_2:
0x85: {  	_ =	swait.ge [sflag:s2], $0x4000  }
0x86: {  	[sflag:s2] =	ssyncset.done $0x0  }
0x87: {  	s1 =	simm.s32 $0x1000;
	[sflag:s2] =	ssyncadd.s32 $0xFFFFC000  }
0x88: {  	[spmem:s3] =	stream.indirect.scatter.add.f32 [tilespmem:s26], [sflag:$0x4], $0x80, s1, s0, $0xb8;
	[tilespmem:$0x1E000] =	vst v63  }
0x89: {  	_ =	swait.ge [sflag:s28], $0x4000  }
0x8a: {  	[sflag:s28] =	ssyncset.done $0x0  }
0x8b: {  	s11 =	simm.s32 $0x100;
	[sflag:s28] =	ssyncadd.s32 $0xFFFFC000  }
0x8c: {  	[tilespmem:s26], [sflag:$0x1] =	stream.indirect.gather [hbm4b:s6+s0], $0x80, s11, s0, $0xb8;
	[tilespmem:$0x1E000] =	vst v63  }
0x8d: {  	_ =	swait.ge [sflag:s14], $0x4000  }
0x8e: {  	[sflag:s14] =	ssyncset.done $0x0  }
0x8f: {  	s12 =	simm.s32 $0x1080;
	[sflag:s14] =	ssyncadd.s32 $0xFFFFC000  }
0x90: {  	[spmem:s3] =	stream.indirect.scatter.add.f32 [tilespmem:s5], [sflag:$0x4], $0x80, s12, s0, $0xb8;
	[tilespmem:$0x1E000] =	vst v63  }
0x91: {  	_ =	swait.ge [sflag:s28], $0x4000  }
0x92: {  	[sflag:s28] =	ssyncset.done $0x0  }
0x93: {  	s11 =	simm.s32 $0x180;
	[sflag:s28] =	ssyncadd.s32 $0xFFFFC000  }
0x94: {  	[tilespmem:s5], [sflag:$0x2] =	stream.indirect.gather [hbm4b:s6+s0], $0x80, s11, s0, $0xb8;
	[tilespmem:$0x1E000] =	vst v63  }
0x95: {  	_ =	swait.ge [sflag:s2], $0x4000  }
0x96: {  	[sflag:s2] =	ssyncset.done $0x0  }
0x97: {  	s12 =	simm.s32 $0x1100;
	[sflag:s2] =	ssyncadd.s32 $0xFFFFC000  }
0x98: {  	[spmem:s3] =	stream.indirect.scatter.add.f32 [tilespmem:s26], [sflag:$0x4], $0x80, s12, s0, $0xb8;
	[tilespmem:$0x1E000] =	vst v63  }
0x99: {  	_ =	swait.ge [sflag:s28], $0x4000  }
0x9a: {  	[sflag:s28] =	ssyncset.done $0x0  }
0x9b: {  	s11 =	simm.s32 $0x200;
	[sflag:s28] =	ssyncadd.s32 $0xFFFFC000  }
0x9c: {  	[tilespmem:s26], [sflag:$0x1] =	stream.indirect.gather [hbm4b:s6+s0], $0x80, s11, s0, $0xb8;
	[tilespmem:$0x1E000] =	vst v63  }
0x9d: {  	_ =	swait.ge [sflag:s14], $0x4000  }
0x9e: {  	[sflag:s14] =	ssyncset.done $0x0  }
0x9f: {  	s12 =	simm.s32 $0x1180;
	[sflag:s14] =	ssyncadd.s32 $0xFFFFC000  }
0xa0: {  	[spmem:s3] =	stream.indirect.scatter.add.f32 [tilespmem:s5], [sflag:$0x4], $0x80, s12, s0, $0xb8;
	[tilespmem:$0x1E000] =	vst v63  }
0xa1: {  	_ =	swait.ge [sflag:s28], $0x4000  }
0xa2: {  	[sflag:s28] =	ssyncset.done $0x0  }
0xa3: {  	s11 =	simm.s32 $0x280;
	[sflag:s28] =	ssyncadd.s32 $0xFFFFC000  }
0xa4: {  	[tilespmem:s5], [sflag:$0x2] =	stream.indirect.gather [hbm4b:s6+s0], $0x80, s11, s0, $0xb8;
	[tilespmem:$0x1E000] =	vst v63  }
0xa5: {  	_ =	swait.ge [sflag:s2], $0x4000  }
0xa6: {  	[sflag:s2] =	ssyncset.done $0x0  }
0xa7: {  	s12 =	simm.s32 $0x1200;
	[sflag:s2] =	ssyncadd.s32 $0xFFFFC000  }
0xa8: {  	[spmem:s3] =	stream.indirect.scatter.add.f32 [tilespmem:s26], [sflag:$0x4], $0x80, s12, s0, $0xb8;
	[tilespmem:$0x1E000] =	vst v63  }
0xa9: {  	_ =	swait.ge [sflag:s28], $0x4000  }
0xaa: {  	[sflag:s28] =	ssyncset.done $0x0  }
0xab: {  	s11 =	simm.s32 $0x300;
	[sflag:s28] =	ssyncadd.s32 $0xFFFFC000  }
0xac: {  	[tilespmem:s26], [sflag:$0x1] =	stream.indirect.gather [hbm4b:s6+s0], $0x80, s11, s0, $0xb8;
	[tilespmem:$0x1E000] =	vst v63  }
0xad: {  	_ =	swait.ge [sflag:s14], $0x4000  }
0xae: {  	[sflag:s14] =	ssyncset.done $0x0  }
0xaf: {  	s12 =	simm.s32 $0x1280;
	[sflag:s14] =	ssyncadd.s32 $0xFFFFC000  }
0xb0: {  	[spmem:s3] =	stream.indirect.scatter.add.f32 [tilespmem:s5], [sflag:$0x4], $0x80, s12, s0, $0xb8;
	[tilespmem:$0x1E000] =	vst v63  }
0xb1: {  	_ =	swait.ge [sflag:s28], $0x4000  }
0xb2: {  	[sflag:s28] =	ssyncset.done $0x0  }
0xb3: {  	s11 =	simm.s32 $0x380;
	[sflag:s28] =	ssyncadd.s32 $0xFFFFC000  }
0xb4: {  	[tilespmem:s5], [sflag:$0x2] =	stream.indirect.gather [hbm4b:s6+s0], $0x80, s11, s0, $0xb8;
	[tilespmem:$0x1E000] =	vst v63  }
0xb5: {  	_ =	swait.ge [sflag:s2], $0x4000  }
0xb6: {  	[sflag:s2] =	ssyncset.done $0x0  }
0xb7: {  	s12 =	simm.s32 $0x1300;
	[sflag:s2] =	ssyncadd.s32 $0xFFFFC000  }
0xb8: {  	[spmem:s3] =	stream.indirect.scatter.add.f32 [tilespmem:s26], [sflag:$0x4], $0x80, s12, s0, $0xb8;
	[tilespmem:$0x1E000] =	vst v63  }
0xb9: {  	_ =	swait.ge [sflag:s28], $0x4000  }
0xba: {  	[sflag:s28] =	ssyncset.done $0x0  }
0xbb: {  	s11 =	simm.s32 $0x400;
	[sflag:s28] =	ssyncadd.s32 $0xFFFFC000  }
0xbc: {  	[tilespmem:s26], [sflag:$0x1] =	stream.indirect.gather [hbm4b:s6+s0], $0x80, s11, s0, $0xb8;
	[tilespmem:$0x1E000] =	vst v63  }
0xbd: {  	_ =	swait.ge [sflag:s14], $0x4000  }
0xbe: {  	[sflag:s14] =	ssyncset.done $0x0  }
0xbf: {  	s12 =	simm.s32 $0x1380;
	[sflag:s14] =	ssyncadd.s32 $0xFFFFC000  }
0xc0: {  	[spmem:s3] =	stream.indirect.scatter.add.f32 [tilespmem:s5], [sflag:$0x4], $0x80, s12, s0, $0xb8;
	[tilespmem:$0x1E000] =	vst v63  }
0xc1: {  	_ =	swait.ge [sflag:s28], $0x4000  }
0xc2: {  	[sflag:s28] =	ssyncset.done $0x0  }
0xc3: {  	s11 =	simm.s32 $0x480;
	[sflag:s28] =	ssyncadd.s32 $0xFFFFC000  }
0xc4: {  	[tilespmem:s5], [sflag:$0x2] =	stream.indirect.gather [hbm4b:s6+s0], $0x80, s11, s0, $0xb8;
	[tilespmem:$0x1E000] =	vst v63  }
0xc5: {  	_ =	swait.ge [sflag:s2], $0x4000  }
0xc6: {  	[sflag:s2] =	ssyncset.done $0x0  }
0xc7: {  	s12 =	simm.s32 $0x1400;
	[sflag:s2] =	ssyncadd.s32 $0xFFFFC000  }
0xc8: {  	[spmem:s3] =	stream.indirect.scatter.add.f32 [tilespmem:s26], [sflag:$0x4], $0x80, s12, s0, $0xb8;
	[tilespmem:$0x1E000] =	vst v63  }
0xc9: {  	_ =	swait.ge [sflag:s28], $0x4000  }
0xca: {  	[sflag:s28] =	ssyncset.done $0x0  }
0xcb: {  	s11 =	simm.s32 $0x500;
	[sflag:s28] =	ssyncadd.s32 $0xFFFFC000  }
0xcc: {  	[tilespmem:s26], [sflag:$0x1] =	stream.indirect.gather [hbm4b:s6+s0], $0x80, s11, s0, $0xb8;
	[tilespmem:$0x1E000] =	vst v63  }
0xcd: {  	_ =	swait.ge [sflag:s14], $0x4000  }
0xce: {  	[sflag:s14] =	ssyncset.done $0x0  }
0xcf: {  	s12 =	simm.s32 $0x1480;
	[sflag:s14] =	ssyncadd.s32 $0xFFFFC000  }
0xd0: {  	[spmem:s3] =	stream.indirect.scatter.add.f32 [tilespmem:s5], [sflag:$0x4], $0x80, s12, s0, $0xb8;
	[tilespmem:$0x1E000] =	vst v63  }
0xd1: {  	_ =	swait.ge [sflag:s28], $0x4000  }
0xd2: {  	[sflag:s28] =	ssyncset.done $0x0  }
0xd3: {  	s11 =	simm.s32 $0x580;
	[sflag:s28] =	ssyncadd.s32 $0xFFFFC000  }
0xd4: {  	[tilespmem:s5], [sflag:$0x2] =	stream.indirect.gather [hbm4b:s6+s0], $0x80, s11, s0, $0xb8;
	[tilespmem:$0x1E000] =	vst v63  }
0xd5: {  	_ =	swait.ge [sflag:s2], $0x4000  }
0xd6: {  	[sflag:s2] =	ssyncset.done $0x0  }
0xd7: {  	s12 =	simm.s32 $0x1500;
	[sflag:s2] =	ssyncadd.s32 $0xFFFFC000  }
0xd8: {  	[spmem:s3] =	stream.indirect.scatter.add.f32 [tilespmem:s26], [sflag:$0x4], $0x80, s12, s0, $0xb8;
	[tilespmem:$0x1E000] =	vst v63  }
0xd9: {  	_ =	swait.ge [sflag:s28], $0x4000  }
0xda: {  	[sflag:s28] =	ssyncset.done $0x0  }
0xdb: {  	s11 =	simm.s32 $0x600;
	[sflag:s28] =	ssyncadd.s32 $0xFFFFC000  }
0xdc: {  	[tilespmem:s26], [sflag:$0x1] =	stream.indirect.gather [hbm4b:s6+s0], $0x80, s11, s0, $0xb8;
	[tilespmem:$0x1E000] =	vst v63  }
0xdd: {  	_ =	swait.ge [sflag:s14], $0x4000  }
0xde: {  	[sflag:s14] =	ssyncset.done $0x0  }
0xdf: {  	s12 =	simm.s32 $0x1580;
	[sflag:s14] =	ssyncadd.s32 $0xFFFFC000  }
0xe0: {  	[spmem:s3] =	stream.indirect.scatter.add.f32 [tilespmem:s5], [sflag:$0x4], $0x80, s12, s0, $0xb8;
	[tilespmem:$0x1E000] =	vst v63  }
0xe1: {  	_ =	swait.ge [sflag:s28], $0x4000  }
0xe2: {  	[sflag:s28] =	ssyncset.done $0x0  }
0xe3: {  	s11 =	simm.s32 $0x680;
	[sflag:s28] =	ssyncadd.s32 $0xFFFFC000  }
0xe4: {  	[tilespmem:s5], [sflag:$0x2] =	stream.indirect.gather [hbm4b:s6+s0], $0x80, s11, s0, $0xb8;
	[tilespmem:$0x1E000] =	vst v63  }
0xe5: {  	_ =	swait.ge [sflag:s2], $0x4000  }
0xe6: {  	[sflag:s2] =	ssyncset.done $0x0  }
0xe7: {  	s12 =	simm.s32 $0x1600;
	[sflag:s2] =	ssyncadd.s32 $0xFFFFC000  }
0xe8: {  	[spmem:s3] =	stream.indirect.scatter.add.f32 [tilespmem:s26], [sflag:$0x4], $0x80, s12, s0, $0xb8;
	[tilespmem:$0x1E000] =	vst v63  }
0xe9: {  	_ =	swait.ge [sflag:s28], $0x4000  }
0xea: {  	[sflag:s28] =	ssyncset.done $0x0  }
0xeb: {  	s11 =	simm.s32 $0x700;
	[sflag:s28] =	ssyncadd.s32 $0xFFFFC000  }
0xec: {  	[tilespmem:s26], [sflag:$0x1] =	stream.indirect.gather [hbm4b:s6+s0], $0x80, s11, s0, $0xb8;
	[tilespmem:$0x1E000] =	vst v63  }
0xed: {  	_ =	swait.ge [sflag:s14], $0x4000  }
0xee: {  	[sflag:s14] =	ssyncset.done $0x0  }
0xef: {  	s12 =	simm.s32 $0x1680;
	[sflag:s14] =	ssyncadd.s32 $0xFFFFC000  }
0xf0: {  	[spmem:s3] =	stream.indirect.scatter.add.f32 [tilespmem:s5], [sflag:$0x4], $0x80, s12, s0, $0xb8;
	[tilespmem:$0x1E000] =	vst v63  }
0xf1: {  	_ =	swait.ge [sflag:s28], $0x4000  }
0xf2: {  	[sflag:s28] =	ssyncset.done $0x0  }
0xf3: {  	s11 =	simm.s32 $0x780;
	[sflag:s28] =	ssyncadd.s32 $0xFFFFC000  }
0xf4: {  	[tilespmem:s5], [sflag:$0x2] =	stream.indirect.gather [hbm4b:s6+s0], $0x80, s11, s0, $0xb8;
	[tilespmem:$0x1E000] =	vst v63  }
0xf5: {  	_ =	swait.ge [sflag:s2], $0x4000  }
0xf6: {  	[sflag:s2] =	ssyncset.done $0x0  }
0xf7: {  	s12 =	simm.s32 $0x1700;
	[sflag:s2] =	ssyncadd.s32 $0xFFFFC000  }
0xf8: {  	[spmem:s3] =	stream.indirect.scatter.add.f32 [tilespmem:s26], [sflag:$0x4], $0x80, s12, s0, $0xb8;
	[tilespmem:$0x1E000] =	vst v63  }
0xf9: {  	_ =	swait.ge [sflag:s28], $0x4000  }
0xfa: {  	[sflag:s28] =	ssyncset.done $0x0  }
0xfb: {  	[sflag:s28] =	ssyncadd.s32 $0xFFFFC000  }
0xfc: {  	_ =	swait.ge [sflag:s9], $0x800  }
0xfd: {  	[sflag:s9] =	ssyncset.done $0x0  }
0xfe: {  	[sflag:s9] =	ssyncadd.s32 $0xFFFFF800  }
0xff: {  	_ =	swait.ge [sflag:s9], $0x800  }
0x100: {  	[sflag:s9] =	ssyncset.done $0x0  }
0x101: {  	[sflag:s9] =	ssyncadd.s32 $0xFFFFF800  }
0x102: {  	[tilespmem:s26], [sflag:$0x1] =	stream.indirect.gather [hbm4b:s6+s0], $0x80, s30, s0, $0xb8;
	[tilespmem:$0x1E000] =	vst v63  }
0x103: {  	_ =	swait.ge [sflag:s14], $0x4000  }
0x104: {  	[sflag:s14] =	ssyncset.done $0x0  }
0x105: {  	s11 =	simm.s32 $0x1780;
	[sflag:s14] =	ssyncadd.s32 $0xFFFFC000  }
0x106: {  	[spmem:s3] =	stream.indirect.scatter.add.f32 [tilespmem:s5], [sflag:$0x4], $0x80, s11, s0, $0xb8;
	[tilespmem:$0x1E000] =	vst v63  }
0x107: {  	_ =	swait.ge [sflag:s28], $0x4000  }
0x108: {  	[sflag:s28] =	ssyncset.done $0x0  }
0x109: {  	p0 =	seq.s32 s10, $0x800;
	s12 =	simm.s32 $0x880;
	[sflag:s28] =	ssyncadd.s32 $0xFFFFC000  }
0x10a: {  	[tilespmem:s5], [sflag:$0x2] =	stream.indirect.gather [hbm4b:s6+s0], $0x80, s12, s0, $0xb8;
	[tilespmem:$0x1E000] =	vst v63  }
0x10b: {  	s11 =	sshrl.u32 @!p0 s8, $0x3;
	s1 =	rddreg [dreg:$0x1]  }
0x10c: {  	s12 =	sadd.s32 @!p0 s1, s11;
	s1 =	simm.s32 @!p0 $0x0  }
0x10d: {  	[tilespmem:s1], [sflag:$0x3] =	stream.linear.gather @!p0 [hbm4b:s12+s1], $0x800, $0x38;
	[tilespmem:$0x1E000] =	vst v63  }
0x10e: {  	s11 =	sadd.s32 @!p0 s7, s11;
	s12 =	simm.s32 @!p0 $0x1000  }
0x10f: {  	[tilespmem:s12], [sflag:$0x3] =	stream.linear.gather @!p0 [hbm4b:s11+s1], $0x800, $0x38;
	[tilespmem:$0x1E000] =	vst v63  }
0x110: {  	_ =	swait.ge [sflag:s2], $0x4000  }
0x111: {  	[sflag:s2] =	ssyncset.done $0x0  }
0x112: {  	[sflag:s2] =	ssyncadd.s32 $0xFFFFC000  }
0x113: {  	[spmem:s3] =	stream.indirect.scatter.add.f32 [tilespmem:s26], [sflag:$0x4], $0x80, s31, s0, $0xb8;
	[tilespmem:$0x1E000] =	vst v63  }
0x114: {  	_ =	swait.ge [sflag:s28], $0x4000  }
0x115: {  	[sflag:s28] =	ssyncset.done $0x0  }
0x116: {  	s11 =	simm.s32 $0x900;
	[sflag:s28] =	ssyncadd.s32 $0xFFFFC000  }
0x117: {  	[tilespmem:s26], [sflag:$0x1] =	stream.indirect.gather [hbm4b:s6+s0], $0x80, s11, s0, $0xb8;
	[tilespmem:$0x1E000] =	vst v63  }
0x118: {  	_ =	swait.ge [sflag:s14], $0x4000  }
0x119: {  	[sflag:s14] =	ssyncset.done $0x0  }
0x11a: {  	s12 =	simm.s32 $0x1880;
	[sflag:s14] =	ssyncadd.s32 $0xFFFFC000  }
0x11b: {  	[spmem:s3] =	stream.indirect.scatter.add.f32 [tilespmem:s5], [sflag:$0x4], $0x80, s12, s0, $0xb8;
	[tilespmem:$0x1E000] =	vst v63  }
0x11c: {  	_ =	swait.ge [sflag:s28], $0x4000  }
0x11d: {  	[sflag:s28] =	ssyncset.done $0x0  }
0x11e: {  	s11 =	simm.s32 $0x980;
	[sflag:s28] =	ssyncadd.s32 $0xFFFFC000  }
0x11f: {  	[tilespmem:s5], [sflag:$0x2] =	stream.indirect.gather [hbm4b:s6+s0], $0x80, s11, s0, $0xb8;
	[tilespmem:$0x1E000] =	vst v63  }
0x120: {  	_ =	swait.ge [sflag:s2], $0x4000  }
0x121: {  	[sflag:s2] =	ssyncset.done $0x0  }
0x122: {  	s12 =	simm.s32 $0x1900;
	[sflag:s2] =	ssyncadd.s32 $0xFFFFC000  }
0x123: {  	[spmem:s3] =	stream.indirect.scatter.add.f32 [tilespmem:s26], [sflag:$0x4], $0x80, s12, s0, $0xb8;
	[tilespmem:$0x1E000] =	vst v63  }
0x124: {  	_ =	swait.ge [sflag:s28], $0x4000  }
0x125: {  	[sflag:s28] =	ssyncset.done $0x0  }
0x126: {  	s11 =	simm.s32 $0xA00;
	[sflag:s28] =	ssyncadd.s32 $0xFFFFC000  }
0x127: {  	[tilespmem:s26], [sflag:$0x1] =	stream.indirect.gather [hbm4b:s6+s0], $0x80, s11, s0, $0xb8;
	[tilespmem:$0x1E000] =	vst v63  }
0x128: {  	_ =	swait.ge [sflag:s14], $0x4000  }
0x129: {  	[sflag:s14] =	ssyncset.done $0x0  }
0x12a: {  	s12 =	simm.s32 $0x1980;
	[sflag:s14] =	ssyncadd.s32 $0xFFFFC000  }
0x12b: {  	[spmem:s3] =	stream.indirect.scatter.add.f32 [tilespmem:s5], [sflag:$0x4], $0x80, s12, s0, $0xb8;
	[tilespmem:$0x1E000] =	vst v63  }
0x12c: {  	_ =	swait.ge [sflag:s28], $0x4000  }
0x12d: {  	[sflag:s28] =	ssyncset.done $0x0  }
0x12e: {  	s11 =	simm.s32 $0xA80;
	[sflag:s28] =	ssyncadd.s32 $0xFFFFC000  }
0x12f: {  	[tilespmem:s5], [sflag:$0x2] =	stream.indirect.gather [hbm4b:s6+s0], $0x80, s11, s0, $0xb8;
	[tilespmem:$0x1E000] =	vst v63  }
0x130: {  	_ =	swait.ge [sflag:s2], $0x4000  }
0x131: {  	[sflag:s2] =	ssyncset.done $0x0  }
0x132: {  	s12 =	simm.s32 $0x1A00;
	[sflag:s2] =	ssyncadd.s32 $0xFFFFC000  }
0x133: {  	[spmem:s3] =	stream.indirect.scatter.add.f32 [tilespmem:s26], [sflag:$0x4], $0x80, s12, s0, $0xb8;
	[tilespmem:$0x1E000] =	vst v63  }
0x134: {  	_ =	swait.ge [sflag:s28], $0x4000  }
0x135: {  	[sflag:s28] =	ssyncset.done $0x0  }
0x136: {  	s11 =	simm.s32 $0xB00;
	[sflag:s28] =	ssyncadd.s32 $0xFFFFC000  }
0x137: {  	[tilespmem:s26], [sflag:$0x1] =	stream.indirect.gather [hbm4b:s6+s0], $0x80, s11, s0, $0xb8;
	[tilespmem:$0x1E000] =	vst v63  }
0x138: {  	_ =	swait.ge [sflag:s14], $0x4000  }
0x139: {  	[sflag:s14] =	ssyncset.done $0x0  }
0x13a: {  	s12 =	simm.s32 $0x1A80;
	[sflag:s14] =	ssyncadd.s32 $0xFFFFC000  }
0x13b: {  	[spmem:s3] =	stream.indirect.scatter.add.f32 [tilespmem:s5], [sflag:$0x4], $0x80, s12, s0, $0xb8;
	[tilespmem:$0x1E000] =	vst v63  }
0x13c: {  	_ =	swait.ge [sflag:s28], $0x4000  }
0x13d: {  	[sflag:s28] =	ssyncset.done $0x0  }
0x13e: {  	s11 =	simm.s32 $0xB80;
	[sflag:s28] =	ssyncadd.s32 $0xFFFFC000  }
0x13f: {  	[tilespmem:s5], [sflag:$0x2] =	stream.indirect.gather [hbm4b:s6+s0], $0x80, s11, s0, $0xb8;
	[tilespmem:$0x1E000] =	vst v63  }
0x140: {  	_ =	swait.ge [sflag:s2], $0x4000  }
0x141: {  	[sflag:s2] =	ssyncset.done $0x0  }
0x142: {  	s12 =	simm.s32 $0x1B00;
	[sflag:s2] =	ssyncadd.s32 $0xFFFFC000  }
0x143: {  	[spmem:s3] =	stream.indirect.scatter.add.f32 [tilespmem:s26], [sflag:$0x4], $0x80, s12, s0, $0xb8;
	[tilespmem:$0x1E000] =	vst v63  }
0x144: {  	_ =	swait.ge [sflag:s28], $0x4000  }
0x145: {  	[sflag:s28] =	ssyncset.done $0x0  }
0x146: {  	s11 =	simm.s32 $0xC00;
	[sflag:s28] =	ssyncadd.s32 $0xFFFFC000  }
0x147: {  	[tilespmem:s26], [sflag:$0x1] =	stream.indirect.gather [hbm4b:s6+s0], $0x80, s11, s0, $0xb8;
	[tilespmem:$0x1E000] =	vst v63  }
0x148: {  	_ =	swait.ge [sflag:s14], $0x4000  }
0x149: {  	[sflag:s14] =	ssyncset.done $0x0  }
0x14a: {  	s12 =	simm.s32 $0x1B80;
	[sflag:s14] =	ssyncadd.s32 $0xFFFFC000  }
0x14b: {  	[spmem:s3] =	stream.indirect.scatter.add.f32 [tilespmem:s5], [sflag:$0x4], $0x80, s12, s0, $0xb8;
	[tilespmem:$0x1E000] =	vst v63  }
0x14c: {  	_ =	swait.ge [sflag:s28], $0x4000  }
0x14d: {  	[sflag:s28] =	ssyncset.done $0x0  }
0x14e: {  	s11 =	simm.s32 $0xC80;
	[sflag:s28] =	ssyncadd.s32 $0xFFFFC000  }
0x14f: {  	[tilespmem:s5], [sflag:$0x2] =	stream.indirect.gather [hbm4b:s6+s0], $0x80, s11, s0, $0xb8;
	[tilespmem:$0x1E000] =	vst v63  }
0x150: {  	_ =	swait.ge [sflag:s2], $0x4000  }
0x151: {  	[sflag:s2] =	ssyncset.done $0x0  }
0x152: {  	s12 =	simm.s32 $0x1C00;
	[sflag:s2] =	ssyncadd.s32 $0xFFFFC000  }
0x153: {  	[spmem:s3] =	stream.indirect.scatter.add.f32 [tilespmem:s26], [sflag:$0x4], $0x80, s12, s0, $0xb8;
	[tilespmem:$0x1E000] =	vst v63  }
0x154: {  	_ =	swait.ge [sflag:s28], $0x4000  }
0x155: {  	[sflag:s28] =	ssyncset.done $0x0  }
0x156: {  	s11 =	simm.s32 $0xD00;
	[sflag:s28] =	ssyncadd.s32 $0xFFFFC000  }
0x157: {  	[tilespmem:s26], [sflag:$0x1] =	stream.indirect.gather [hbm4b:s6+s0], $0x80, s11, s0, $0xb8;
	[tilespmem:$0x1E000] =	vst v63  }
0x158: {  	_ =	swait.ge [sflag:s14], $0x4000  }
0x159: {  	[sflag:s14] =	ssyncset.done $0x0  }
0x15a: {  	s12 =	simm.s32 $0x1C80;
	[sflag:s14] =	ssyncadd.s32 $0xFFFFC000  }
0x15b: {  	[spmem:s3] =	stream.indirect.scatter.add.f32 [tilespmem:s5], [sflag:$0x4], $0x80, s12, s0, $0xb8;
	[tilespmem:$0x1E000] =	vst v63  }
0x15c: {  	_ =	swait.ge [sflag:s28], $0x4000  }
0x15d: {  	[sflag:s28] =	ssyncset.done $0x0  }
0x15e: {  	[sflag:s28] =	ssyncadd.s32 $0xFFFFC000  }
0x15f: {  	[tilespmem:s5], [sflag:$0x2] =	stream.indirect.gather [hbm4b:s6+s0], $0x80, s13, s0, $0xb8;
	[tilespmem:$0x1E000] =	vst v63  }
0x160: {  	_ =	swait.ge [sflag:s2], $0x4000  }
0x161: {  	[sflag:s2] =	ssyncset.done $0x0  }
0x162: {  	[sflag:s2] =	ssyncadd.s32 $0xFFFFC000  }
0x163: {  	[spmem:s3] =	stream.indirect.scatter.add.f32 [tilespmem:s26], [sflag:$0x4], $0x80, s15, s0, $0xb8;
	[tilespmem:$0x1E000] =	vst v63  }
0x164: {  	_ =	swait.ge [sflag:s28], $0x4000  }
0x165: {  	[sflag:s28] =	ssyncset.done $0x0  }
0x166: {  	[sflag:s28] =	ssyncadd.s32 $0xFFFFC000  }
0x167: {  	[tilespmem:s26], [sflag:$0x1] =	stream.indirect.gather [hbm4b:s6+s0], $0x80, s16, s0, $0xb8;
	[tilespmem:$0x1E000] =	vst v63  }
0x168: {  	_ =	swait.ge [sflag:s14], $0x4000  }
0x169: {  	[sflag:s14] =	ssyncset.done $0x0  }
0x16a: {  	[sflag:s14] =	ssyncadd.s32 $0xFFFFC000  }
0x16b: {  	[spmem:s3] =	stream.indirect.scatter.add.f32 [tilespmem:s5], [sflag:$0x4], $0x80, s17, s0, $0xb8;
	[tilespmem:$0x1E000] =	vst v63  }
0x16c: {  	_ =	swait.ge [sflag:s28], $0x4000  }
0x16d: {  	[sflag:s28] =	ssyncset.done $0x0  }
0x16e: {  	[sflag:s28] =	ssyncadd.s32 $0xFFFFC000  }
0x16f: {  	[tilespmem:s5], [sflag:$0x2] =	stream.indirect.gather [hbm4b:s6+s0], $0x80, s18, s0, $0xb8;
	[tilespmem:$0x1E000] =	vst v63  }
0x170: {  	_ =	swait.ge [sflag:s2], $0x4000  }
0x171: {  	[sflag:s2] =	ssyncset.done $0x0  }
0x172: {  	[sflag:s2] =	ssyncadd.s32 $0xFFFFC000  }
0x173: {  	[spmem:s3] =	stream.indirect.scatter.add.f32 [tilespmem:s26], [sflag:$0x4], $0x80, s19, s0, $0xb8;
	[tilespmem:$0x1E000] =	vst v63  }
0x174: {  	_ =	swait.ge [sflag:s28], $0x4000  }
0x175: {  	[sflag:s28] =	ssyncset.done $0x0  }
0x176: {  	[sflag:s28] =	ssyncadd.s32 $0xFFFFC000  }
0x177: {  	[tilespmem:s26], [sflag:$0x1] =	stream.indirect.gather [hbm4b:s6+s0], $0x80, s20, s0, $0xb8;
	[tilespmem:$0x1E000] =	vst v63  }
0x178: {  	_ =	swait.ge [sflag:s14], $0x4000  }
0x179: {  	[sflag:s14] =	ssyncset.done $0x0  }
0x17a: {  	[sflag:s14] =	ssyncadd.s32 $0xFFFFC000  }
0x17b: {  	[spmem:s3] =	stream.indirect.scatter.add.f32 [tilespmem:s5], [sflag:$0x4], $0x80, s21, s0, $0xb8;
	[tilespmem:$0x1E000] =	vst v63  }
0x17c: {  	_ =	swait.ge [sflag:s28], $0x4000  }
0x17d: {  	[sflag:s28] =	ssyncset.done $0x0  }
0x17e: {  	[sflag:s28] =	ssyncadd.s32 $0xFFFFC000  }
0x17f: {  	[tilespmem:s5], [sflag:$0x2] =	stream.indirect.gather [hbm4b:s6+s0], $0x80, s29, s0, $0xb8;
	[tilespmem:$0x1E000] =	vst v63  }
0x180: {  	_ =	swait.ge [sflag:s2], $0x4000  }
0x181: {  	[sflag:s2] =	ssyncset.done $0x0  }
.Ltmp2:
0x182: {  	[sflag:s2] =	ssyncadd.s32 $0xFFFFC000;
	(pc) =	sbr.rel @p0 .LBB2_4-.Ltmp2, $4  }
0x183: {  	[spmem:s3] =	stream.indirect.scatter.add.f32 [tilespmem:s26], [sflag:$0x4], $0x80, s22, s0, $0xb8;
	[tilespmem:$0x1E000] =	vst v63  }
0x184: {  	_ =	swait.ge [sflag:s28], $0x4000  }
0x185: {  	[sflag:s28] =	ssyncset.done $0x0  }
0x186: {  	[sflag:s28] =	ssyncadd.s32 $0xFFFFC000  }
0x187: {  	_ =	swait.ge [sflag:s9], $0x800  }
0x188: {  	[sflag:s9] =	ssyncset.done $0x0  }
0x189: {  	[sflag:s9] =	ssyncadd.s32 $0xFFFFF800  }
0x18a: {  	_ =	swait.ge [sflag:s9], $0x800  }
0x18b: {  	[sflag:s9] =	ssyncset.done $0x0  }
0x18c: {  	[sflag:s9] =	ssyncadd.s32 $0xFFFFF800  }
0x18d: {  	[tilespmem:s26], [sflag:$0x1] =	stream.indirect.gather [hbm4b:s6+s0], $0x80, s4, s0, $0xb8;
	[tilespmem:$0x1E000] =	vst v63  }
0x18e: {  	_ =	swait.ge [sflag:s14], $0x4000  }
0x18f: {  	[sflag:s14] =	ssyncset.done $0x0  }
0x190: {  	[sflag:s14] =	ssyncadd.s32 $0xFFFFC000  }
0x191: {  	[spmem:s3] =	stream.indirect.scatter.add.f32 [tilespmem:s5], [sflag:$0x4], $0x80, s25, s0, $0xb8;
	[tilespmem:$0x1E000] =	vst v63  }
0x192: {  	_ =	swait.ge [sflag:s28], $0x4000  }
0x193: {  	[sflag:s28] =	ssyncset.done $0x0  }
0x194: {  	[sflag:s28] =	ssyncadd.s32 $0xFFFFC000  }
0x195: {  	[tilespmem:s5], [sflag:$0x2] =	stream.indirect.gather [hbm4b:s6+s0], $0x80, s0, s0, $0xb8;
	[tilespmem:$0x1E000] =	vst v63  }
.Ltmp3:
0x196: {  	_ = 	snop;
	(pc) =	sbr.rel .LBB2_2-.Ltmp3, $4  }
0x197: {  	s1 =	sadd.s32 s10, s24  }
0x198: {  	[tilespmem:s30], [sflag:$0x3] =	stream.linear.gather [hbm4b:s1+s4], $0x800, $0x38;
	[tilespmem:$0x1E000] =	vst v63  }
0x199: {  	s12 =	sadd.s32 s10, s23;
	s10 =	sadd.s32 $0x200, s10;
	s8 =	sadd.s32 $0x1000, s8  }
0x19a: {  	[tilespmem:s31], [sflag:$0x3] =	stream.linear.gather [hbm4b:s12+s4], $0x800, $0x38;
	[tilespmem:$0x1E000] =	vst v63  }
.LBB2_5:
0x19b: {  	_ =	sfence.sel $0x180000  }
0x19c: {  	[bflag:$0x0] =	sbarrier.arrive $0xFFFF  }
0x19d: {  	_ =	strace $0x9000004A  }
0x19e: {  	s0 =	stileid.u32;
	[bflag:$0x2] =	sbarrier.arrive $0xFFFF  }
0x19f: {  	p0 =	sne.s32 s0, $0x0;
	s0 =	rddreg [dreg:$0x4]  }
0x1a0: {  	s0 =	sadd.s32 @!p0 $0x100000, s0  }
0x1a1: {  	[sflag:s0] =	ssyncadd.tile.s32 @!p0 $0x1;
	_ =	shalt  }
.Lfunc_end2:
_tile_overlayer_lowered:
.L_overlay_start_2:
0x1a2: {  	(tag) =	ssettag $0x2  }
0x1a3: {  	s0 =	rddreg [dreg:$0x0];
	s2 =	stileid.u32  }
0x1a4: {  	s1 =	rddreg [dreg:$0x1];
	p0 =	sne.s32 s2, $0x0  }
0x1a5: {  	s3 =	rddreg [dreg:$0x2];
	[bflag:$0x3] =	sbarrier.arrive $0xFFFF;
	s2 =	simm.s32 @!p0 $0x1C04  }
0x1a6: {  	[timem:s3], [sflag:s2] =	dma.local @!p0 [hbm:s0], s1  }
0x1a7: {  	s0 =	simm.s32 @!p0 $0x4  }
0x1a8: {  	_ =	swait.ge @!p0 [sflag:s0], s1  }
0x1a9: {  	s1 =	ssub.s32 @!p0 $0x0, s1;
	[sflag:s0] =	ssyncset.done @!p0 $0x0  }
0x1aa: {  	[sflag:s0] =	ssyncadd.s32 @!p0 s1  }
0x1ab: {  	[bflag:$0x3] =	sbarrier.arrive $0xFFFF  }
0x1ac: {  	_ =	shalt  }

</sc_bundles>
